<compile_context>
chip_gen: v7x
topology: tpu7x:2x2x1
jax: 0.10.2.dev20260603
libtpu: 0.0.44.dev20260713+nightly
codegen_flags: <defaults>
</compile_context>

<pallas_src>
import functools

import jax
import jax.numpy as jnp
from jax import lax
from jax.experimental import pallas as pl
from jax.experimental.pallas import tpu as pltpu
from jax.experimental.pallas import tpu_sc as plsc

N = 10000
E = 320000
D = 128

NC = 2
NS = 16
NW = NC * NS

K = 128
S = 80
S0 = 58
S1 = 2 * S - S0
E_PAD = NW * S * K
NCHUNK = E_PAD // K
NROWS = 10240
PAD_ROW = 10016
RPT = NROWS // NS
QCOL = NROWS // 4
HROWS = 320
H_PAD = HROWS * 128 * 8

_mesh = plsc.VectorSubcoreMesh(core_axis_name="c", subcore_axis_name="s")


@functools.partial(
    pl.kernel,
    out_type=jax.ShapeDtypeStruct((NW, 1, QCOL), jnp.float32),
    mesh=_mesh,
    compiler_params=pltpu.CompilerParams(needs_layout_passes=False),
    scratch_types=[
        pltpu.VMEM((HROWS, 128), jnp.int32),
        pltpu.VMEM((NROWS,), jnp.float32),
        pltpu.VMEM((4, QCOL), jnp.float32),
        pltpu.VMEM((QCOL,), jnp.float32),
        pltpu.VMEM_SHARED((NS, 1, NROWS), jnp.float32),
    ],
)
def _hist_sc(idx4, hist_out, idx_v, hist_v, rbuf, obuf, shared_h):
    c = lax.axis_index("c")
    s = lax.axis_index("s")
    a = s // 4
    q = s % 4
    part = a * 8 + q * NC + c

    @pl.loop(0, NROWS // 16)
    def _zero(i):
        hist_v[pl.ds(i * 16, 16)] = jnp.zeros((16,), jnp.float32)

    pltpu.sync_copy(idx4.at[part], idx_v)
    ones = jnp.ones((16,), jnp.float32)

    @pl.loop(0, HROWS * 8)
    def _count(t):
        iv = idx_v[t // 8, pl.ds((t % 8) * 16, 16)]
        plsc.addupdate_scatter(hist_v, [iv], ones)

    pltpu.sync_copy(hist_v, shared_h.at[s, 0])
    plsc.subcore_barrier()

    base = q * QCOL
    for l in range(4):
        pltpu.sync_copy(shared_h.at[a * 4 + l, 0, pl.ds(base, QCOL)], rbuf.at[l])

    @pl.loop(0, QCOL // 16)
    def _red(i):
        sl = pl.ds(i * 16, 16)
        obuf[sl] = rbuf[0, sl] + rbuf[1, sl] + rbuf[2, sl] + rbuf[3, sl]

    pltpu.sync_copy(obuf, hist_out.at[c * 16 + a * 4 + q, 0])


@functools.partial(
    pl.kernel,
    out_type=jax.ShapeDtypeStruct((NC, NROWS, D), jnp.float32),
    mesh=_mesh,
    scratch_types=[
        pltpu.VMEM((S1, K), jnp.int32),
        pltpu.VMEM((S1, K), jnp.int32),
        pltpu.VMEM((K, D), jnp.float32),
        pltpu.VMEM_SHARED((NROWS, D), jnp.float32),
        pltpu.SemaphoreType.DMA,
    ],
)
def _agg_sc(h_hbm, src_b0, dst_b0, src_b1, dst_b1, zeros_hbm, part_out,
            src_v, dst_v, rows_v, accum, gsem):
    c = lax.axis_index("c")
    s = lax.axis_index("s")

    pltpu.sync_copy(zeros_hbm.at[pl.ds(s * RPT, RPT)], accum.at[pl.ds(s * RPT, RPT)])
    plsc.subcore_barrier()

    def run(src_b, dst_b, n_steps):
        pltpu.sync_copy(src_b.at[s], src_v.at[pl.ds(0, n_steps)])
        pltpu.sync_copy(dst_b.at[s], dst_v.at[pl.ds(0, n_steps)])

        @pl.loop(0, n_steps)
        def _step(j):
            pltpu.async_copy(h_hbm.at[src_v.at[j]], rows_v, gsem).wait()
            pltpu.sync_copy(rows_v, accum.at[dst_v.at[j]], add=True)

    @pl.when(c == 0)
    def _():
        run(src_b0, dst_b0, S0)

    @pl.when(c == 1)
    def _():
        run(src_b1, dst_b1, S1)

    plsc.subcore_barrier()
    pltpu.sync_copy(accum.at[pl.ds(s * RPT, RPT)],
                    part_out.at[c, pl.ds(s * RPT, RPT)])


def _counts(hist_arr, a):
    h = hist_arr.reshape(2, 4, 4 * QCOL)
    return (h[0, a] + h[1, a])[:N]


def _mm1_body(x_ref, w_ref, hist_ref, h_ref):
    scale = lax.rsqrt(jnp.maximum(_counts(hist_ref[...], 0), 1.0))
    h_ref[...] = jnp.dot(x_ref[...] * scale[:, None], w_ref[...],
                         preferred_element_type=jnp.float32)


def _bn(h, gamma, beta):
    mu = jnp.mean(h, axis=0)
    var = jnp.mean((h - mu[None, :]) ** 2, axis=0)
    return gamma[None, :] * (h - mu[None, :]) * lax.rsqrt(var + 1e-5) + beta[None, :]


def _fused2_body(p_ref, hist_ref, b1_ref, g1_ref, be1_ref, mask_ref, w2_ref, h2_ref):
    agg = p_ref[0, :N, :] + p_ref[1, :N, :]
    cin = _counts(hist_ref[...], 1)
    agg = agg * lax.rsqrt(jnp.maximum(cin, 1.0))[:, None] + b1_ref[...][None, :]
    y = jnp.maximum(_bn(agg, g1_ref[...], be1_ref[...]), 0.0)
    y = y * mask_ref[...]
    cout2 = _counts(hist_ref[...], 2)
    y = y * lax.rsqrt(jnp.maximum(cout2, 1.0))[:, None]
    h2_ref[...] = jnp.dot(y, w2_ref[...], preferred_element_type=jnp.float32)


def _fused3_body(p_ref, hist_ref, b2_ref, g2_ref, be2_ref, out_ref):
    agg = p_ref[0, :N, :] + p_ref[1, :N, :]
    cin = _counts(hist_ref[...], 3)
    agg = agg * lax.rsqrt(jnp.maximum(cin, 1.0))[:, None] + b2_ref[...][None, :]
    out_ref[...] = jnp.maximum(_bn(agg, g2_ref[...], be2_ref[...]), 0.0)


_mm1 = pl.pallas_call(_mm1_body, out_shape=jax.ShapeDtypeStruct((N, D), jnp.float32))
_fused2 = pl.pallas_call(_fused2_body, out_shape=jax.ShapeDtypeStruct((N, D), jnp.float32))
_fused3 = pl.pallas_call(_fused3_body, out_shape=jax.ShapeDtypeStruct((N, D), jnp.float32))


def _prep_edges(idx, fill):
    pad = jnp.full((E_PAD - E,), fill, jnp.int32)
    flat = jnp.reshape(jnp.concatenate([idx, pad]), (NCHUNK, K))
    b0 = flat[: NS * S0].reshape(NS, S0, K)
    b1 = flat[NS * S0:].reshape(NS, S1, K)
    return b0, b1


def kernel(x, edge_index1, edge_index2, W1, b1, W2, b2,
           bn1_gamma, bn1_beta, bn2_gamma, bn2_beta):
    hpad = jnp.full((4, H_PAD - E), PAD_ROW, jnp.int32)
    idx4 = jnp.concatenate(
        [jnp.concatenate([edge_index1, edge_index2], axis=0), hpad], axis=1)
    idx4 = idx4.reshape(NW, HROWS, 128)
    hist = _hist_sc(idx4)

    h1 = _mm1(x, W1, hist)

    zeros = jnp.zeros((NROWS, D), jnp.float32)
    src1a, src1b = _prep_edges(edge_index1[0], 0)
    dst1a, dst1b = _prep_edges(edge_index1[1], PAD_ROW)
    p1 = _agg_sc(h1, src1a, dst1a, src1b, dst1b, zeros)

    mask = jax.random.bernoulli(jax.random.key(42), 0.5, (N, D))
    maskscale = jnp.where(mask, 2.0, 0.0).astype(jnp.float32)
    h2 = _fused2(p1, hist, b1, bn1_gamma, bn1_beta, maskscale, W2)

    src2a, src2b = _prep_edges(edge_index2[0], 0)
    dst2a, dst2b = _prep_edges(edge_index2[1], PAD_ROW)
    p2 = _agg_sc(h2, src2a, dst2a, src2b, dst2b, zeros)

    return _fused3(p2, hist, b2, bn2_gamma, bn2_beta)

# --- scband reference (transcript-rebuilt; emitter-appended) ---
"""Pipeline reference for scband-stochastic-two-layer-gcn-52630529245768 (READ-ONLY COPY).

The authoritative reference and input builder live on the scoring server;
editing this copy changes nothing except your own understanding.
"""

import jax, jax.numpy as jnp
import numpy as np

N_NODES = 10000
N_EDGES = 320000
D_IN = 128
D_HID = 128
D_OUT = 128


def setup_inputs(seed: int = 0) -> dict:
    key = jax.random.key(seed)
    ks = jax.random.split(key, 8)
    x = jax.random.normal(ks[0], (N_NODES, D_IN), dtype=jnp.float32)
    edge_index1 = jax.random.randint(ks[1], (2, N_EDGES), 0, N_NODES, dtype=jnp.int64 if jax.config.jax_enable_x64 else jnp.int32).astype(jnp.int32)
    edge_index2 = jax.random.randint(ks[2], (2, N_EDGES), 0, N_NODES, dtype=jnp.int64 if jax.config.jax_enable_x64 else jnp.int32).astype(jnp.int32)
    W1 = jax.random.normal(ks[3], (D_IN, D_HID), dtype=jnp.float32) * (1.0 / np.sqrt(D_IN))
    b1 = jnp.zeros((D_HID,), dtype=jnp.float32)
    W2 = jax.random.normal(ks[4], (D_HID, D_OUT), dtype=jnp.float32) * (1.0 / np.sqrt(D_HID))
    b2 = jnp.zeros((D_OUT,), dtype=jnp.float32)
    bn1_gamma = jnp.ones((D_HID,), dtype=jnp.float32)
    bn1_beta = jnp.zeros((D_HID,), dtype=jnp.float32)
    bn2_gamma = jnp.ones((D_OUT,), dtype=jnp.float32)
    bn2_beta = jnp.zeros((D_OUT,), dtype=jnp.float32)
    return {"x": x, "edge_index1": edge_index1, "edge_index2": edge_index2,
            "W1": W1, "b1": b1, "W2": W2, "b2": b2,
            "bn1_gamma": bn1_gamma, "bn1_beta": bn1_beta,
            "bn2_gamma": bn2_gamma, "bn2_beta": bn2_beta}


def _graph_conv(x, src, dst, W, b, n_nodes):
    # DGL GraphConv, norm='both': D_out^{-1/2} on src feats, sum-aggregate, D_in^{-1/2} on dst
    deg_out = jnp.maximum(jnp.bincount(src, length=n_nodes), 1).astype(x.dtype)
    deg_in = jnp.maximum(jnp.bincount(dst, length=n_nodes), 1).astype(x.dtype)
    h = x * (deg_out ** -0.5)[:, None]
    h = h @ W
    agg = jax.ops.segment_sum(h[src], dst, num_segments=n_nodes)
    agg = agg * (deg_in ** -0.5)[:, None]
    return agg + b


def _batch_norm(x, gamma, beta, eps=1e-5):
    mu = jnp.mean(x, axis=0)
    var = jnp.mean((x - mu) ** 2, axis=0)  # biased var, training-mode BN
    return gamma * (x - mu) * jax.lax.rsqrt(var + eps) + beta


def reference(x, edge_index1, edge_index2, W1, b1, W2, b2,
              bn1_gamma, bn1_beta, bn2_gamma, bn2_beta):
    n = x.shape[0]
    h = _graph_conv(x, edge_index1[0], edge_index1[1], W1, b1, n)
    h = jax.nn.relu(_batch_norm(h, bn1_gamma, bn1_beta))
    # F.dropout(x, 0.5) with training=True default; deterministic fixed-key mask
    mask = jax.random.bernoulli(jax.random.key(42), 0.5, h.shape)
    h = jnp.where(mask, h / 0.5, 0.0)
    h = _graph_conv(h, edge_index2[0], edge_index2[1], W2, b2, n)
    h = jax.nn.relu(_batch_norm(h, bn2_gamma, bn2_beta))
    return h

if __name__ == "__main__":
    import jax
    _d = setup_inputs()
    print(jax.jit(kernel)(*tuple(_d.values())))

</pallas_src>

<mosaic_0001>
#map = affine_map<(d0, d1) -> (0, 0, 0)>
module attributes {stable_mosaic.version = 14 : i64} {
  func.func @_hist_sc(%arg0: i32, %arg1: i32, %arg2: memref<32x320x128xi32, #tpu.memory_space<hbm>>, %arg3: memref<32x1x2560xf32, #tpu.memory_space<hbm>>, %arg4: memref<320x128xi32, #tpu.memory_space<vmem>>, %arg5: memref<10240xf32, #tpu.memory_space<vmem>>, %arg6: memref<4x2560xf32, #tpu.memory_space<vmem>>, %arg7: memref<2560xf32, #tpu.memory_space<vmem>>, %arg8: memref<16x1x10240xf32, #tpu.memory_space<vmem_shared>>) attributes {dimension_semantics = [#tpu.dimension_semantics<core_parallel>, #tpu.dimension_semantics<subcore_parallel>], iteration_bounds = array<i64: 2, 16>, scalar_prefetch = 0 : i64, scratch_operands = 5 : i64, tpu.core_type = #tpu.core_type<sc_vector_subcore>, window_params = [{transform_indices = #map}, {transform_indices = #map}]} {
    %jit3A = arith.constant 4 : i32
    %div3A = arith.divsi %arg1, %jit3A : i32
    %sign3A = arith.constant 0 : i32
    %sign3A_0 = arith.cmpi sgt, %arg1, %sign3A : i32
    %sign3A_1 = arith.extui %sign3A_0 : i1 to i32
    %sign3A_2 = arith.constant 0 : i32
    %sign3A_3 = arith.cmpi slt, %arg1, %sign3A_2 : i32
    %sign3A_4 = arith.extui %sign3A_3 : i1 to i32
    %sign3A_5 = arith.subi %sign3A_1, %sign3A_4 : i32
    %sign3A_6 = arith.constant 0 : i32
    %sign3A_7 = arith.cmpi sgt, %jit3A, %sign3A_6 : i32
    %sign3A_8 = arith.extui %sign3A_7 : i1 to i32
    %sign3A_9 = arith.constant 0 : i32
    %sign3A_10 = arith.cmpi slt, %jit3A, %sign3A_9 : i32
    %sign3A_11 = arith.extui %sign3A_10 : i1 to i32
    %sign3A_12 = arith.subi %sign3A_8, %sign3A_11 : i32
    %ne3A = arith.cmpi ne, %sign3A_5, %sign3A_12 : i32
    %rem3A = arith.remsi %arg1, %jit3A : i32
    %ne3A_13 = arith.constant 0 : i32
    %ne3A_14 = arith.cmpi ne, %rem3A, %ne3A_13 : i32
    %and3A = arith.andi %ne3A, %ne3A_14 : i1
    %sub3A = arith.constant 1 : i32
    %sub3A_15 = arith.subi %div3A, %sub3A : i32
    %select_n3A = arith.select %and3A, %sub3A_15, %div3A : i32
    %jit3A_16 = arith.constant 4 : i32
    %eq3A = arith.constant 0 : i32
    %eq3A_17 = arith.cmpi eq, %jit3A_16, %eq3A : i32
    %jit3A_18 = arith.constant 1 : i32
    %select_n3A_19 = arith.select %eq3A_17, %jit3A_18, %jit3A_16 : i32
    %rem3A_20 = arith.remsi %arg1, %select_n3A_19 : i32
    %ne3A_21 = arith.constant 0 : i32
    %ne3A_22 = arith.cmpi ne, %rem3A_20, %ne3A_21 : i32
    %lt3A = arith.constant 0 : i32
    %lt3A_23 = arith.cmpi slt, %rem3A_20, %lt3A : i32
    %lt3A_24 = arith.constant 0 : i32
    %lt3A_25 = arith.cmpi slt, %select_n3A_19, %lt3A_24 : i32
    %ne3A_26 = arith.xori %lt3A_23, %lt3A_25 : i1
    %and3A_27 = arith.andi %ne3A_26, %ne3A_22 : i1
    %add3A = arith.addi %rem3A_20, %select_n3A_19 : i32
    %select_n3A_28 = arith.select %and3A_27, %add3A, %rem3A_20 : i32
    %mul3A = arith.constant 8 : i32
    %mul3A_29 = arith.muli %select_n3A, %mul3A : i32
    %mul3A_30 = arith.constant 2 : i32
    %mul3A_31 = arith.muli %select_n3A_28, %mul3A_30 : i32
    %add3A_32 = arith.addi %mul3A_29, %mul3A_31 : i32
    %add3A_33 = arith.addi %add3A_32, %arg0 : i32
    %scan3A = arith.constant 0 : i32
    %scan3A_34 = arith.constant 640 : i32
    %scan3A_35 = arith.addi %scan3A, %scan3A_34 : i32
    %scan3A_36 = arith.constant 1 : i32
    scf.for %scan3A_82 = %scan3A to %scan3A_35 step %scan3A_36  : i32 {
      %mul3A_83 = arith.constant 1 : i32
      %mul3A_84 = arith.muli %scan3A_82, %mul3A_83 : i32
      %add3A_85 = arith.constant 0 : i32
      %add3A_86 = arith.addi %add3A_85, %mul3A_84 : i32
      %broadcast_in_dim3A_87 = arith.constant 0.000000e+00 : f32
      %broadcast_in_dim3A_88 = vector.broadcast %broadcast_in_dim3A_87 : f32 to vector<16xf32>
      %mul3A_89 = arith.constant 16 : i32
      %mul3A_90 = arith.muli %add3A_86, %mul3A_89 : i32
      %swap3A = arith.index_cast %mul3A_90 : i32 to index
      %swap3A_91 = tpu.vector_load %arg5[%swap3A] {strides = array<i32>} : memref<10240xf32, #tpu.memory_space<vmem>>, vector<16xf32>,
      tpu.vector_store %arg5[%swap3A], %broadcast_in_dim3A_88 {strides = array<i32>} : memref<10240xf32, #tpu.memory_space<vmem>>, vector<16xf32>,
    }
    %scan3A_37 = arith.constant 640 : i32
    "tpu.region"() ({
      %run_scoped3A_82 = tpu.sem_alloc : memref<!tpu.dma_semaphore, #tpu.memory_space<semaphore_mem>>
      %dma_start3A = arith.constant 0 : i32
      %dma_start3A_83 = arith.constant 0 : i32
      %dma_start3A_84 = tpu.memref_slice %arg2[%add3A_33, %dma_start3A, %dma_start3A_83] : memref<32x320x128xi32, #tpu.memory_space<hbm>> -> memref<1x320x128xi32, #tpu.memory_space<hbm>>
      %dma_start3A_85 = tpu.memref_squeeze %dma_start3A_84 : memref<1x320x128xi32, #tpu.memory_space<hbm>> -> memref<320x128xi32, #tpu.memory_space<hbm>>
      %dma_start3A_86 = arith.constant 0 : i32
      %dma_start3A_87 = arith.constant 0 : i32
      %dma_start3A_88 = tpu.memref_slice %arg2[%add3A_33, %dma_start3A_86, %dma_start3A_87] : memref<32x320x128xi32, #tpu.memory_space<hbm>> -> memref<1x320x128xi32, #tpu.memory_space<hbm>>
      %dma_start3A_89 = tpu.memref_squeeze %dma_start3A_88 : memref<1x320x128xi32, #tpu.memory_space<hbm>> -> memref<320x128xi32, #tpu.memory_space<hbm>>
      tpu.enqueue_dma source(%dma_start3A_89 : memref<320x128xi32, #tpu.memory_space<hbm>>) target(%arg4 : memref<320x128xi32, #tpu.memory_space<vmem>>) target_semaphore(%run_scoped3A_82 : memref<!tpu.dma_semaphore, #tpu.memory_space<semaphore_mem>>)
      %dma_wait3A = arith.constant 0 : i32
      %dma_wait3A_90 = arith.constant 0 : i32
      %dma_wait3A_91 = tpu.memref_slice %arg2[%add3A_33, %dma_wait3A, %dma_wait3A_90] : memref<32x320x128xi32, #tpu.memory_space<hbm>> -> memref<1x320x128xi32, #tpu.memory_space<hbm>>
      %dma_wait3A_92 = tpu.memref_squeeze %dma_wait3A_91 : memref<1x320x128xi32, #tpu.memory_space<hbm>> -> memref<320x128xi32, #tpu.memory_space<hbm>>
      %dma_wait3A_93 = arith.constant 0 : i32
      %dma_wait3A_94 = arith.constant 0 : i32
      %dma_wait3A_95 = tpu.memref_slice %arg2[%add3A_33, %dma_wait3A_93, %dma_wait3A_94] : memref<32x320x128xi32, #tpu.memory_space<hbm>> -> memref<1x320x128xi32, #tpu.memory_space<hbm>>
      %dma_wait3A_96 = tpu.memref_squeeze %dma_wait3A_95 : memref<1x320x128xi32, #tpu.memory_space<hbm>> -> memref<320x128xi32, #tpu.memory_space<hbm>>
      tpu.wait_dma2 semaphore(%run_scoped3A_82 : memref<!tpu.dma_semaphore, #tpu.memory_space<semaphore_mem>>) src(%dma_wait3A_96 : memref<320x128xi32, #tpu.memory_space<hbm>>) dst(%arg4 : memref<320x128xi32, #tpu.memory_space<vmem>>)
      tpu.yield
    }) : () -> ()
    %broadcast_in_dim3A = arith.constant 1.000000e+00 : f32
    %broadcast_in_dim3A_38 = vector.broadcast %broadcast_in_dim3A : f32 to vector<16xf32>
    %scan3A_39 = arith.constant 0 : i32
    %scan3A_40 = arith.constant 2560 : i32
    %scan3A_41 = arith.addi %scan3A_39, %scan3A_40 : i32
    %scan3A_42 = arith.constant 1 : i32
    scf.for %scan3A_82 = %scan3A_39 to %scan3A_41 step %scan3A_42  : i32 {
      %mul3A_83 = arith.constant 1 : i32
      %mul3A_84 = arith.muli %scan3A_82, %mul3A_83 : i32
      %add3A_85 = arith.constant 0 : i32
      %add3A_86 = arith.addi %add3A_85, %mul3A_84 : i32
      %jit3A_87 = arith.constant 8 : i32
      %div3A_88 = arith.divsi %add3A_86, %jit3A_87 : i32
      %sign3A_89 = arith.constant 0 : i32
      %sign3A_90 = arith.cmpi sgt, %add3A_86, %sign3A_89 : i32
      %sign3A_91 = arith.extui %sign3A_90 : i1 to i32
      %sign3A_92 = arith.constant 0 : i32
      %sign3A_93 = arith.cmpi slt, %add3A_86, %sign3A_92 : i32
      %sign3A_94 = arith.extui %sign3A_93 : i1 to i32
      %sign3A_95 = arith.subi %sign3A_91, %sign3A_94 : i32
      %sign3A_96 = arith.constant 0 : i32
      %sign3A_97 = arith.cmpi sgt, %jit3A_87, %sign3A_96 : i32
      %sign3A_98 = arith.extui %sign3A_97 : i1 to i32
      %sign3A_99 = arith.constant 0 : i32
      %sign3A_100 = arith.cmpi slt, %jit3A_87, %sign3A_99 : i32
      %sign3A_101 = arith.extui %sign3A_100 : i1 to i32
      %sign3A_102 = arith.subi %sign3A_98, %sign3A_101 : i32
      %ne3A_103 = arith.cmpi ne, %sign3A_95, %sign3A_102 : i32
      %rem3A_104 = arith.remsi %add3A_86, %jit3A_87 : i32
      %ne3A_105 = arith.constant 0 : i32
      %ne3A_106 = arith.cmpi ne, %rem3A_104, %ne3A_105 : i32
      %and3A_107 = arith.andi %ne3A_103, %ne3A_106 : i1
      %sub3A_108 = arith.constant 1 : i32
      %sub3A_109 = arith.subi %div3A_88, %sub3A_108 : i32
      %select_n3A_110 = arith.select %and3A_107, %sub3A_109, %div3A_88 : i32
      %jit3A_111 = arith.constant 8 : i32
      %eq3A_112 = arith.constant 0 : i32
      %eq3A_113 = arith.cmpi eq, %jit3A_111, %eq3A_112 : i32
      %jit3A_114 = arith.constant 1 : i32
      %select_n3A_115 = arith.select %eq3A_113, %jit3A_114, %jit3A_111 : i32
      %rem3A_116 = arith.remsi %add3A_86, %select_n3A_115 : i32
      %ne3A_117 = arith.constant 0 : i32
      %ne3A_118 = arith.cmpi ne, %rem3A_116, %ne3A_117 : i32
      %lt3A_119 = arith.constant 0 : i32
      %lt3A_120 = arith.cmpi slt, %rem3A_116, %lt3A_119 : i32
      %lt3A_121 = arith.constant 0 : i32
      %lt3A_122 = arith.cmpi slt, %select_n3A_115, %lt3A_121 : i32
      %ne3A_123 = arith.xori %lt3A_120, %lt3A_122 : i1
      %and3A_124 = arith.andi %ne3A_123, %ne3A_118 : i1
      %add3A_125 = arith.addi %rem3A_116, %select_n3A_115 : i32
      %select_n3A_126 = arith.select %and3A_124, %add3A_125, %rem3A_116 : i32
      %mul3A_127 = arith.constant 16 : i32
      %mul3A_128 = arith.muli %select_n3A_126, %mul3A_127 : i32
      %get3A = arith.index_cast %select_n3A_110 : i32 to index
      %get3A_129 = arith.index_cast %mul3A_128 : i32 to index
      %get3A_130 = tpu.vector_load %arg4[%get3A, %get3A_129] {strides = array<i32>} : memref<320x128xi32, #tpu.memory_space<vmem>>, vector<16xi32>,
      tpu.vector_store_idx %arg5[%get3A_130], %broadcast_in_dim3A_38 {add = true} : memref<10240xf32, #tpu.memory_space<vmem>>[vector<16xi32>], vector<16xf32>,
    }
    %scan3A_43 = arith.constant 2560 : i32
    %run_scoped3A = arith.constant 0 : i32
    "tpu.region"() ({
      %run_scoped3A_82 = tpu.sem_alloc : memref<!tpu.dma_semaphore, #tpu.memory_space<semaphore_mem>>
      %dma_start3A = arith.constant 0 : i32
      %dma_start3A_83 = tpu.memref_slice %arg8[%arg1, %run_scoped3A, %dma_start3A] : memref<16x1x10240xf32, #tpu.memory_space<vmem_shared>> -> memref<1x1x10240xf32, #tpu.memory_space<vmem_shared>>
      %dma_start3A_84 = tpu.memref_squeeze %dma_start3A_83 : memref<1x1x10240xf32, #tpu.memory_space<vmem_shared>> -> memref<10240xf32, #tpu.memory_space<vmem_shared>>
      %dma_start3A_85 = arith.constant 0 : i32
      %dma_start3A_86 = tpu.memref_slice %arg8[%arg1, %run_scoped3A, %dma_start3A_85] : memref<16x1x10240xf32, #tpu.memory_space<vmem_shared>> -> memref<1x1x10240xf32, #tpu.memory_space<vmem_shared>>
      %dma_start3A_87 = tpu.memref_squeeze %dma_start3A_86 : memref<1x1x10240xf32, #tpu.memory_space<vmem_shared>> -> memref<10240xf32, #tpu.memory_space<vmem_shared>>
      tpu.enqueue_dma source(%arg5 : memref<10240xf32, #tpu.memory_space<vmem>>) target(%dma_start3A_87 : memref<10240xf32, #tpu.memory_space<vmem_shared>>) target_semaphore(%run_scoped3A_82 : memref<!tpu.dma_semaphore, #tpu.memory_space<semaphore_mem>>)
      %dma_wait3A = arith.constant 0 : i32
      %dma_wait3A_88 = tpu.memref_slice %arg8[%arg1, %run_scoped3A, %dma_wait3A] : memref<16x1x10240xf32, #tpu.memory_space<vmem_shared>> -> memref<1x1x10240xf32, #tpu.memory_space<vmem_shared>>
      %dma_wait3A_89 = tpu.memref_squeeze %dma_wait3A_88 : memref<1x1x10240xf32, #tpu.memory_space<vmem_shared>> -> memref<10240xf32, #tpu.memory_space<vmem_shared>>
      %dma_wait3A_90 = arith.constant 0 : i32
      %dma_wait3A_91 = tpu.memref_slice %arg8[%arg1, %run_scoped3A, %dma_wait3A_90] : memref<16x1x10240xf32, #tpu.memory_space<vmem_shared>> -> memref<1x1x10240xf32, #tpu.memory_space<vmem_shared>>
      %dma_wait3A_92 = tpu.memref_squeeze %dma_wait3A_91 : memref<1x1x10240xf32, #tpu.memory_space<vmem_shared>> -> memref<10240xf32, #tpu.memory_space<vmem_shared>>
      tpu.wait_dma2 semaphore(%run_scoped3A_82 : memref<!tpu.dma_semaphore, #tpu.memory_space<semaphore_mem>>) src(%arg5 : memref<10240xf32, #tpu.memory_space<vmem>>) dst(%dma_wait3A_92 : memref<10240xf32, #tpu.memory_space<vmem_shared>>)
      tpu.yield
    }) : () -> ()
    %barrier3A = arith.constant 0 : index
    tpu.barrier barrier_id(%barrier3A)
    %mul3A_44 = arith.constant 2560 : i32
    %mul3A_45 = arith.muli %select_n3A_28, %mul3A_44 : i32
    %mul3A_46 = arith.constant 4 : i32
    %mul3A_47 = arith.muli %select_n3A, %mul3A_46 : i32
    %add3A_48 = arith.constant 0 : i32
    %add3A_49 = arith.addi %mul3A_47, %add3A_48 : i32
    %run_scoped3A_50 = arith.constant 0 : i32
    %run_scoped3A_51 = arith.constant 0 : i32
    "tpu.region"() ({
      %run_scoped3A_82 = tpu.sem_alloc : memref<!tpu.dma_semaphore, #tpu.memory_space<semaphore_mem>>
      %dma_start3A = arith.constant 0 : i32
      %dma_start3A_83 = tpu.memref_slice %arg6[%run_scoped3A_51, %dma_start3A] : memref<4x2560xf32, #tpu.memory_space<vmem>> -> memref<1x2560xf32, #tpu.memory_space<vmem>>
      %dma_start3A_84 = tpu.memref_squeeze %dma_start3A_83 : memref<1x2560xf32, #tpu.memory_space<vmem>> -> memref<2560xf32, #tpu.memory_space<vmem>>
      %dma_start3A_85 = tpu.memref_slice %arg8[%add3A_49, %run_scoped3A_50, %mul3A_45] : memref<16x1x10240xf32, #tpu.memory_space<vmem_shared>> -> memref<1x1x2560xf32, #tpu.memory_space<vmem_shared>>
      %dma_start3A_86 = tpu.memref_squeeze %dma_start3A_85 : memref<1x1x2560xf32, #tpu.memory_space<vmem_shared>> -> memref<2560xf32, #tpu.memory_space<vmem_shared>>
      %dma_start3A_87 = arith.constant 0 : i32
      %dma_start3A_88 = tpu.memref_slice %arg6[%run_scoped3A_51, %dma_start3A_87] : memref<4x2560xf32, #tpu.memory_space<vmem>> -> memref<1x2560xf32, #tpu.memory_space<vmem>>
      %dma_start3A_89 = tpu.memref_squeeze %dma_start3A_88 : memref<1x2560xf32, #tpu.memory_space<vmem>> -> memref<2560xf32, #tpu.memory_space<vmem>>
      %dma_start3A_90 = tpu.memref_slice %arg8[%add3A_49, %run_scoped3A_50, %mul3A_45] : memref<16x1x10240xf32, #tpu.memory_space<vmem_shared>> -> memref<1x1x2560xf32, #tpu.memory_space<vmem_shared>>
      %dma_start3A_91 = tpu.memref_squeeze %dma_start3A_90 : memref<1x1x2560xf32, #tpu.memory_space<vmem_shared>> -> memref<2560xf32, #tpu.memory_space<vmem_shared>>
      tpu.enqueue_dma source(%dma_start3A_91 : memref<2560xf32, #tpu.memory_space<vmem_shared>>) target(%dma_start3A_89 : memref<2560xf32, #tpu.memory_space<vmem>>) target_semaphore(%run_scoped3A_82 : memref<!tpu.dma_semaphore, #tpu.memory_space<semaphore_mem>>)
      %dma_wait3A = arith.constant 0 : i32
      %dma_wait3A_92 = tpu.memref_slice %arg6[%run_scoped3A_51, %dma_wait3A] : memref<4x2560xf32, #tpu.memory_space<vmem>> -> memref<1x2560xf32, #tpu.memory_space<vmem>>
      %dma_wait3A_93 = tpu.memref_squeeze %dma_wait3A_92 : memref<1x2560xf32, #tpu.memory_space<vmem>> -> memref<2560xf32, #tpu.memory_space<vmem>>
      %dma_wait3A_94 = tpu.memref_slice %arg8[%add3A_49, %run_scoped3A_50, %mul3A_45] : memref<16x1x10240xf32, #tpu.memory_space<vmem_shared>> -> memref<1x1x2560xf32, #tpu.memory_space<vmem_shared>>
      %dma_wait3A_95 = tpu.memref_squeeze %dma_wait3A_94 : memref<1x1x2560xf32, #tpu.memory_space<vmem_shared>> -> memref<2560xf32, #tpu.memory_space<vmem_shared>>
      %dma_wait3A_96 = arith.constant 0 : i32
      %dma_wait3A_97 = tpu.memref_slice %arg6[%run_scoped3A_51, %dma_wait3A_96] : memref<4x2560xf32, #tpu.memory_space<vmem>> -> memref<1x2560xf32, #tpu.memory_space<vmem>>
      %dma_wait3A_98 = tpu.memref_squeeze %dma_wait3A_97 : memref<1x2560xf32, #tpu.memory_space<vmem>> -> memref<2560xf32, #tpu.memory_space<vmem>>
      %dma_wait3A_99 = tpu.memref_slice %arg8[%add3A_49, %run_scoped3A_50, %mul3A_45] : memref<16x1x10240xf32, #tpu.memory_space<vmem_shared>> -> memref<1x1x2560xf32, #tpu.memory_space<vmem_shared>>
      %dma_wait3A_100 = tpu.memref_squeeze %dma_wait3A_99 : memref<1x1x2560xf32, #tpu.memory_space<vmem_shared>> -> memref<2560xf32, #tpu.memory_space<vmem_shared>>
      tpu.wait_dma2 semaphore(%run_scoped3A_82 : memref<!tpu.dma_semaphore, #tpu.memory_space<semaphore_mem>>) src(%dma_wait3A_100 : memref<2560xf32, #tpu.memory_space<vmem_shared>>) dst(%dma_wait3A_98 : memref<2560xf32, #tpu.memory_space<vmem>>)
      tpu.yield
    }) : () -> ()
    %mul3A_52 = arith.constant 4 : i32
    %mul3A_53 = arith.muli %select_n3A, %mul3A_52 : i32
    %add3A_54 = arith.constant 1 : i32
    %add3A_55 = arith.addi %mul3A_53, %add3A_54 : i32
    %run_scoped3A_56 = arith.constant 0 : i32
    %run_scoped3A_57 = arith.constant 1 : i32
    "tpu.region"() ({
      %run_scoped3A_82 = tpu.sem_alloc : memref<!tpu.dma_semaphore, #tpu.memory_space<semaphore_mem>>
      %dma_start3A = arith.constant 0 : i32
      %dma_start3A_83 = tpu.memref_slice %arg6[%run_scoped3A_57, %dma_start3A] : memref<4x2560xf32, #tpu.memory_space<vmem>> -> memref<1x2560xf32, #tpu.memory_space<vmem>>
      %dma_start3A_84 = tpu.memref_squeeze %dma_start3A_83 : memref<1x2560xf32, #tpu.memory_space<vmem>> -> memref<2560xf32, #tpu.memory_space<vmem>>
      %dma_start3A_85 = tpu.memref_slice %arg8[%add3A_55, %run_scoped3A_56, %mul3A_45] : memref<16x1x10240xf32, #tpu.memory_space<vmem_shared>> -> memref<1x1x2560xf32, #tpu.memory_space<vmem_shared>>
      %dma_start3A_86 = tpu.memref_squeeze %dma_start3A_85 : memref<1x1x2560xf32, #tpu.memory_space<vmem_shared>> -> memref<2560xf32, #tpu.memory_space<vmem_shared>>
      %dma_start3A_87 = arith.constant 0 : i32
      %dma_start3A_88 = tpu.memref_slice %arg6[%run_scoped3A_57, %dma_start3A_87] : memref<4x2560xf32, #tpu.memory_space<vmem>> -> memref<1x2560xf32, #tpu.memory_space<vmem>>
      %dma_start3A_89 = tpu.memref_squeeze %dma_start3A_88 : memref<1x2560xf32, #tpu.memory_space<vmem>> -> memref<2560xf32, #tpu.memory_space<vmem>>
      %dma_start3A_90 = tpu.memref_slice %arg8[%add3A_55, %run_scoped3A_56, %mul3A_45] : memref<16x1x10240xf32, #tpu.memory_space<vmem_shared>> -> memref<1x1x2560xf32, #tpu.memory_space<vmem_shared>>
      %dma_start3A_91 = tpu.memref_squeeze %dma_start3A_90 : memref<1x1x2560xf32, #tpu.memory_space<vmem_shared>> -> memref<2560xf32, #tpu.memory_space<vmem_shared>>
      tpu.enqueue_dma source(%dma_start3A_91 : memref<2560xf32, #tpu.memory_space<vmem_shared>>) target(%dma_start3A_89 : memref<2560xf32, #tpu.memory_space<vmem>>) target_semaphore(%run_scoped3A_82 : memref<!tpu.dma_semaphore, #tpu.memory_space<semaphore_mem>>)
      %dma_wait3A = arith.constant 0 : i32
      %dma_wait3A_92 = tpu.memref_slice %arg6[%run_scoped3A_57, %dma_wait3A] : memref<4x2560xf32, #tpu.memory_space<vmem>> -> memref<1x2560xf32, #tpu.memory_space<vmem>>
      %dma_wait3A_93 = tpu.memref_squeeze %dma_wait3A_92 : memref<1x2560xf32, #tpu.memory_space<vmem>> -> memref<2560xf32, #tpu.memory_space<vmem>>
      %dma_wait3A_94 = tpu.memref_slice %arg8[%add3A_55, %run_scoped3A_56, %mul3A_45] : memref<16x1x10240xf32, #tpu.memory_space<vmem_shared>> -> memref<1x1x2560xf32, #tpu.memory_space<vmem_shared>>
      %dma_wait3A_95 = tpu.memref_squeeze %dma_wait3A_94 : memref<1x1x2560xf32, #tpu.memory_space<vmem_shared>> -> memref<2560xf32, #tpu.memory_space<vmem_shared>>
      %dma_wait3A_96 = arith.constant 0 : i32
      %dma_wait3A_97 = tpu.memref_slice %arg6[%run_scoped3A_57, %dma_wait3A_96] : memref<4x2560xf32, #tpu.memory_space<vmem>> -> memref<1x2560xf32, #tpu.memory_space<vmem>>
      %dma_wait3A_98 = tpu.memref_squeeze %dma_wait3A_97 : memref<1x2560xf32, #tpu.memory_space<vmem>> -> memref<2560xf32, #tpu.memory_space<vmem>>
      %dma_wait3A_99 = tpu.memref_slice %arg8[%add3A_55, %run_scoped3A_56, %mul3A_45] : memref<16x1x10240xf32, #tpu.memory_space<vmem_shared>> -> memref<1x1x2560xf32, #tpu.memory_space<vmem_shared>>
      %dma_wait3A_100 = tpu.memref_squeeze %dma_wait3A_99 : memref<1x1x2560xf32, #tpu.memory_space<vmem_shared>> -> memref<2560xf32, #tpu.memory_space<vmem_shared>>
      tpu.wait_dma2 semaphore(%run_scoped3A_82 : memref<!tpu.dma_semaphore, #tpu.memory_space<semaphore_mem>>) src(%dma_wait3A_100 : memref<2560xf32, #tpu.memory_space<vmem_shared>>) dst(%dma_wait3A_98 : memref<2560xf32, #tpu.memory_space<vmem>>)
      tpu.yield
    }) : () -> ()
    %mul3A_58 = arith.constant 4 : i32
    %mul3A_59 = arith.muli %select_n3A, %mul3A_58 : i32
    %add3A_60 = arith.constant 2 : i32
    %add3A_61 = arith.addi %mul3A_59, %add3A_60 : i32
    %run_scoped3A_62 = arith.constant 0 : i32
    %run_scoped3A_63 = arith.constant 2 : i32
    "tpu.region"() ({
      %run_scoped3A_82 = tpu.sem_alloc : memref<!tpu.dma_semaphore, #tpu.memory_space<semaphore_mem>>
      %dma_start3A = arith.constant 0 : i32
      %dma_start3A_83 = tpu.memref_slice %arg6[%run_scoped3A_63, %dma_start3A] : memref<4x2560xf32, #tpu.memory_space<vmem>> -> memref<1x2560xf32, #tpu.memory_space<vmem>>
      %dma_start3A_84 = tpu.memref_squeeze %dma_start3A_83 : memref<1x2560xf32, #tpu.memory_space<vmem>> -> memref<2560xf32, #tpu.memory_space<vmem>>
      %dma_start3A_85 = tpu.memref_slice %arg8[%add3A_61, %run_scoped3A_62, %mul3A_45] : memref<16x1x10240xf32, #tpu.memory_space<vmem_shared>> -> memref<1x1x2560xf32, #tpu.memory_space<vmem_shared>>
      %dma_start3A_86 = tpu.memref_squeeze %dma_start3A_85 : memref<1x1x2560xf32, #tpu.memory_space<vmem_shared>> -> memref<2560xf32, #tpu.memory_space<vmem_shared>>
      %dma_start3A_87 = arith.constant 0 : i32
      %dma_start3A_88 = tpu.memref_slice %arg6[%run_scoped3A_63, %dma_start3A_87] : memref<4x2560xf32, #tpu.memory_space<vmem>> -> memref<1x2560xf32, #tpu.memory_space<vmem>>
      %dma_start3A_89 = tpu.memref_squeeze %dma_start3A_88 : memref<1x2560xf32, #tpu.memory_space<vmem>> -> memref<2560xf32, #tpu.memory_space<vmem>>
      %dma_start3A_90 = tpu.memref_slice %arg8[%add3A_61, %run_scoped3A_62, %mul3A_45] : memref<16x1x10240xf32, #tpu.memory_space<vmem_shared>> -> memref<1x1x2560xf32, #tpu.memory_space<vmem_shared>>
      %dma_start3A_91 = tpu.memref_squeeze %dma_start3A_90 : memref<1x1x2560xf32, #tpu.memory_space<vmem_shared>> -> memref<2560xf32, #tpu.memory_space<vmem_shared>>
      tpu.enqueue_dma source(%dma_start3A_91 : memref<2560xf32, #tpu.memory_space<vmem_shared>>) target(%dma_start3A_89 : memref<2560xf32, #tpu.memory_space<vmem>>) target_semaphore(%run_scoped3A_82 : memref<!tpu.dma_semaphore, #tpu.memory_space<semaphore_mem>>)
      %dma_wait3A = arith.constant 0 : i32
      %dma_wait3A_92 = tpu.memref_slice %arg6[%run_scoped3A_63, %dma_wait3A] : memref<4x2560xf32, #tpu.memory_space<vmem>> -> memref<1x2560xf32, #tpu.memory_space<vmem>>
      %dma_wait3A_93 = tpu.memref_squeeze %dma_wait3A_92 : memref<1x2560xf32, #tpu.memory_space<vmem>> -> memref<2560xf32, #tpu.memory_space<vmem>>
      %dma_wait3A_94 = tpu.memref_slice %arg8[%add3A_61, %run_scoped3A_62, %mul3A_45] : memref<16x1x10240xf32, #tpu.memory_space<vmem_shared>> -> memref<1x1x2560xf32, #tpu.memory_space<vmem_shared>>
      %dma_wait3A_95 = tpu.memref_squeeze %dma_wait3A_94 : memref<1x1x2560xf32, #tpu.memory_space<vmem_shared>> -> memref<2560xf32, #tpu.memory_space<vmem_shared>>
      %dma_wait3A_96 = arith.constant 0 : i32
      %dma_wait3A_97 = tpu.memref_slice %arg6[%run_scoped3A_63, %dma_wait3A_96] : memref<4x2560xf32, #tpu.memory_space<vmem>> -> memref<1x2560xf32, #tpu.memory_space<vmem>>
      %dma_wait3A_98 = tpu.memref_squeeze %dma_wait3A_97 : memref<1x2560xf32, #tpu.memory_space<vmem>> -> memref<2560xf32, #tpu.memory_space<vmem>>
      %dma_wait3A_99 = tpu.memref_slice %arg8[%add3A_61, %run_scoped3A_62, %mul3A_45] : memref<16x1x10240xf32, #tpu.memory_space<vmem_shared>> -> memref<1x1x2560xf32, #tpu.memory_space<vmem_shared>>
      %dma_wait3A_100 = tpu.memref_squeeze %dma_wait3A_99 : memref<1x1x2560xf32, #tpu.memory_space<vmem_shared>> -> memref<2560xf32, #tpu.memory_space<vmem_shared>>
      tpu.wait_dma2 semaphore(%run_scoped3A_82 : memref<!tpu.dma_semaphore, #tpu.memory_space<semaphore_mem>>) src(%dma_wait3A_100 : memref<2560xf32, #tpu.memory_space<vmem_shared>>) dst(%dma_wait3A_98 : memref<2560xf32, #tpu.memory_space<vmem>>)
      tpu.yield
    }) : () -> ()
    %mul3A_64 = arith.constant 4 : i32
    %mul3A_65 = arith.muli %select_n3A, %mul3A_64 : i32
    %add3A_66 = arith.constant 3 : i32
    %add3A_67 = arith.addi %mul3A_65, %add3A_66 : i32
    %run_scoped3A_68 = arith.constant 0 : i32
    %run_scoped3A_69 = arith.constant 3 : i32
    "tpu.region"() ({
      %run_scoped3A_82 = tpu.sem_alloc : memref<!tpu.dma_semaphore, #tpu.memory_space<semaphore_mem>>
      %dma_start3A = arith.constant 0 : i32
      %dma_start3A_83 = tpu.memref_slice %arg6[%run_scoped3A_69, %dma_start3A] : memref<4x2560xf32, #tpu.memory_space<vmem>> -> memref<1x2560xf32, #tpu.memory_space<vmem>>
      %dma_start3A_84 = tpu.memref_squeeze %dma_start3A_83 : memref<1x2560xf32, #tpu.memory_space<vmem>> -> memref<2560xf32, #tpu.memory_space<vmem>>
      %dma_start3A_85 = tpu.memref_slice %arg8[%add3A_67, %run_scoped3A_68, %mul3A_45] : memref<16x1x10240xf32, #tpu.memory_space<vmem_shared>> -> memref<1x1x2560xf32, #tpu.memory_space<vmem_shared>>
      %dma_start3A_86 = tpu.memref_squeeze %dma_start3A_85 : memref<1x1x2560xf32, #tpu.memory_space<vmem_shared>> -> memref<2560xf32, #tpu.memory_space<vmem_shared>>
      %dma_start3A_87 = arith.constant 0 : i32
      %dma_start3A_88 = tpu.memref_slice %arg6[%run_scoped3A_69, %dma_start3A_87] : memref<4x2560xf32, #tpu.memory_space<vmem>> -> memref<1x2560xf32, #tpu.memory_space<vmem>>
      %dma_start3A_89 = tpu.memref_squeeze %dma_start3A_88 : memref<1x2560xf32, #tpu.memory_space<vmem>> -> memref<2560xf32, #tpu.memory_space<vmem>>
      %dma_start3A_90 = tpu.memref_slice %arg8[%add3A_67, %run_scoped3A_68, %mul3A_45] : memref<16x1x10240xf32, #tpu.memory_space<vmem_shared>> -> memref<1x1x2560xf32, #tpu.memory_space<vmem_shared>>
      %dma_start3A_91 = tpu.memref_squeeze %dma_start3A_90 : memref<1x1x2560xf32, #tpu.memory_space<vmem_shared>> -> memref<2560xf32, #tpu.memory_space<vmem_shared>>
      tpu.enqueue_dma source(%dma_start3A_91 : memref<2560xf32, #tpu.memory_space<vmem_shared>>) target(%dma_start3A_89 : memref<2560xf32, #tpu.memory_space<vmem>>) target_semaphore(%run_scoped3A_82 : memref<!tpu.dma_semaphore, #tpu.memory_space<semaphore_mem>>)
      %dma_wait3A = arith.constant 0 : i32
      %dma_wait3A_92 = tpu.memref_slice %arg6[%run_scoped3A_69, %dma_wait3A] : memref<4x2560xf32, #tpu.memory_space<vmem>> -> memref<1x2560xf32, #tpu.memory_space<vmem>>
      %dma_wait3A_93 = tpu.memref_squeeze %dma_wait3A_92 : memref<1x2560xf32, #tpu.memory_space<vmem>> -> memref<2560xf32, #tpu.memory_space<vmem>>
      %dma_wait3A_94 = tpu.memref_slice %arg8[%add3A_67, %run_scoped3A_68, %mul3A_45] : memref<16x1x10240xf32, #tpu.memory_space<vmem_shared>> -> memref<1x1x2560xf32, #tpu.memory_space<vmem_shared>>
      %dma_wait3A_95 = tpu.memref_squeeze %dma_wait3A_94 : memref<1x1x2560xf32, #tpu.memory_space<vmem_shared>> -> memref<2560xf32, #tpu.memory_space<vmem_shared>>
      %dma_wait3A_96 = arith.constant 0 : i32
      %dma_wait3A_97 = tpu.memref_slice %arg6[%run_scoped3A_69, %dma_wait3A_96] : memref<4x2560xf32, #tpu.memory_space<vmem>> -> memref<1x2560xf32, #tpu.memory_space<vmem>>
      %dma_wait3A_98 = tpu.memref_squeeze %dma_wait3A_97 : memref<1x2560xf32, #tpu.memory_space<vmem>> -> memref<2560xf32, #tpu.memory_space<vmem>>
      %dma_wait3A_99 = tpu.memref_slice %arg8[%add3A_67, %run_scoped3A_68, %mul3A_45] : memref<16x1x10240xf32, #tpu.memory_space<vmem_shared>> -> memref<1x1x2560xf32, #tpu.memory_space<vmem_shared>>
      %dma_wait3A_100 = tpu.memref_squeeze %dma_wait3A_99 : memref<1x1x2560xf32, #tpu.memory_space<vmem_shared>> -> memref<2560xf32, #tpu.memory_space<vmem_shared>>
      tpu.wait_dma2 semaphore(%run_scoped3A_82 : memref<!tpu.dma_semaphore, #tpu.memory_space<semaphore_mem>>) src(%dma_wait3A_100 : memref<2560xf32, #tpu.memory_space<vmem_shared>>) dst(%dma_wait3A_98 : memref<2560xf32, #tpu.memory_space<vmem>>)
      tpu.yield
    }) : () -> ()
    %scan3A_70 = arith.constant 0 : i32
    %scan3A_71 = arith.constant 160 : i32
    %scan3A_72 = arith.addi %scan3A_70, %scan3A_71 : i32
    %scan3A_73 = arith.constant 1 : i32
    scf.for %scan3A_82 = %scan3A_70 to %scan3A_72 step %scan3A_73  : i32 {
      %mul3A_83 = arith.constant 1 : i32
      %mul3A_84 = arith.muli %scan3A_82, %mul3A_83 : i32
      %add3A_85 = arith.constant 0 : i32
      %add3A_86 = arith.addi %add3A_85, %mul3A_84 : i32
      %mul3A_87 = arith.constant 16 : i32
      %mul3A_88 = arith.muli %add3A_86, %mul3A_87 : i32
      %get3A = arith.constant 0 : i32
      %get3A_89 = arith.index_cast %get3A : i32 to index
      %get3A_90 = arith.index_cast %mul3A_88 : i32 to index
      %get3A_91 = tpu.vector_load %arg6[%get3A_89, %get3A_90] {strides = array<i32>} : memref<4x2560xf32, #tpu.memory_space<vmem>>, vector<16xf32>,
      %get3A_92 = arith.constant 1 : i32
      %get3A_93 = arith.index_cast %get3A_92 : i32 to index
      %get3A_94 = arith.index_cast %mul3A_88 : i32 to index
      %get3A_95 = tpu.vector_load %arg6[%get3A_93, %get3A_94] {strides = array<i32>} : memref<4x2560xf32, #tpu.memory_space<vmem>>, vector<16xf32>,
      %add3A_96 = arith.addf %get3A_91, %get3A_95 : vector<16xf32>
      %get3A_97 = arith.constant 2 : i32
      %get3A_98 = arith.index_cast %get3A_97 : i32 to index
      %get3A_99 = arith.index_cast %mul3A_88 : i32 to index
      %get3A_100 = tpu.vector_load %arg6[%get3A_98, %get3A_99] {strides = array<i32>} : memref<4x2560xf32, #tpu.memory_space<vmem>>, vector<16xf32>,
      %add3A_101 = arith.addf %add3A_96, %get3A_100 : vector<16xf32>
      %get3A_102 = arith.constant 3 : i32
      %get3A_103 = arith.index_cast %get3A_102 : i32 to index
      %get3A_104 = arith.index_cast %mul3A_88 : i32 to index
      %get3A_105 = tpu.vector_load %arg6[%get3A_103, %get3A_104] {strides = array<i32>} : memref<4x2560xf32, #tpu.memory_space<vmem>>, vector<16xf32>,
      %add3A_106 = arith.addf %add3A_101, %get3A_105 : vector<16xf32>
      %swap3A = arith.index_cast %mul3A_88 : i32 to index
      %swap3A_107 = tpu.vector_load %arg7[%swap3A] {strides = array<i32>} : memref<2560xf32, #tpu.memory_space<vmem>>, vector<16xf32>,
      tpu.vector_store %arg7[%swap3A], %add3A_106 {strides = array<i32>} : memref<2560xf32, #tpu.memory_space<vmem>>, vector<16xf32>,
    }
    %scan3A_74 = arith.constant 160 : i32
    %mul3A_75 = arith.constant 16 : i32
    %mul3A_76 = arith.muli %arg0, %mul3A_75 : i32
    %mul3A_77 = arith.constant 4 : i32
    %mul3A_78 = arith.muli %select_n3A, %mul3A_77 : i32
    %add3A_79 = arith.addi %mul3A_76, %mul3A_78 : i32
    %add3A_80 = arith.addi %add3A_79, %select_n3A_28 : i32
    %run_scoped3A_81 = arith.constant 0 : i32
    "tpu.region"() ({
      %run_scoped3A_82 = tpu.sem_alloc : memref<!tpu.dma_semaphore, #tpu.memory_space<semaphore_mem>>
      %dma_start3A = arith.constant 0 : i32
      %dma_start3A_83 = tpu.memref_slice %arg3[%add3A_80, %run_scoped3A_81, %dma_start3A] : memref<32x1x2560xf32, #tpu.memory_space<hbm>> -> memref<1x1x2560xf32, #tpu.memory_space<hbm>>
      %dma_start3A_84 = tpu.memref_squeeze %dma_start3A_83 : memref<1x1x2560xf32, #tpu.memory_space<hbm>> -> memref<2560xf32, #tpu.memory_space<hbm>>
      %dma_start3A_85 = arith.constant 0 : i32
      %dma_start3A_86 = tpu.memref_slice %arg3[%add3A_80, %run_scoped3A_81, %dma_start3A_85] : memref<32x1x2560xf32, #tpu.memory_space<hbm>> -> memref<1x1x2560xf32, #tpu.memory_space<hbm>>
      %dma_start3A_87 = tpu.memref_squeeze %dma_start3A_86 : memref<1x1x2560xf32, #tpu.memory_space<hbm>> -> memref<2560xf32, #tpu.memory_space<hbm>>
      tpu.enqueue_dma source(%arg7 : memref<2560xf32, #tpu.memory_space<vmem>>) target(%dma_start3A_87 : memref<2560xf32, #tpu.memory_space<hbm>>) target_semaphore(%run_scoped3A_82 : memref<!tpu.dma_semaphore, #tpu.memory_space<semaphore_mem>>)
      %dma_wait3A = arith.constant 0 : i32
      %dma_wait3A_88 = tpu.memref_slice %arg3[%add3A_80, %run_scoped3A_81, %dma_wait3A] : memref<32x1x2560xf32, #tpu.memory_space<hbm>> -> memref<1x1x2560xf32, #tpu.memory_space<hbm>>
      %dma_wait3A_89 = tpu.memref_squeeze %dma_wait3A_88 : memref<1x1x2560xf32, #tpu.memory_space<hbm>> -> memref<2560xf32, #tpu.memory_space<hbm>>
      %dma_wait3A_90 = arith.constant 0 : i32
      %dma_wait3A_91 = tpu.memref_slice %arg3[%add3A_80, %run_scoped3A_81, %dma_wait3A_90] : memref<32x1x2560xf32, #tpu.memory_space<hbm>> -> memref<1x1x2560xf32, #tpu.memory_space<hbm>>
      %dma_wait3A_92 = tpu.memref_squeeze %dma_wait3A_91 : memref<1x1x2560xf32, #tpu.memory_space<hbm>> -> memref<2560xf32, #tpu.memory_space<hbm>>
      tpu.wait_dma2 semaphore(%run_scoped3A_82 : memref<!tpu.dma_semaphore, #tpu.memory_space<semaphore_mem>>) src(%arg7 : memref<2560xf32, #tpu.memory_space<vmem>>) dst(%dma_wait3A_92 : memref<2560xf32, #tpu.memory_space<hbm>>)
      tpu.yield
    }) : () -> ()
    return
  }
}

#map = affine_map<(d0, d1) -> (0, 0)>
#map1 = affine_map<(d0, d1) -> (0, 0, 0)>
module attributes {stable_mosaic.version = 14 : i64} {
  func.func @_agg_sc(%arg0: i32, %arg1: i32, %arg2: memref<10000x128xf32, #tpu.memory_space<hbm>>, %arg3: memref<16x58x128xi32, #tpu.memory_space<hbm>>, %arg4: memref<16x58x128xi32, #tpu.memory_space<hbm>>, %arg5: memref<16x102x128xi32, #tpu.memory_space<hbm>>, %arg6: memref<16x102x128xi32, #tpu.memory_space<hbm>>, %arg7: memref<10240x128xf32, #tpu.memory_space<hbm>>, %arg8: memref<2x10240x128xf32, #tpu.memory_space<hbm>>, %arg9: memref<102x128xi32, #tpu.memory_space<vmem>>, %arg10: memref<102x128xi32, #tpu.memory_space<vmem>>, %arg11: memref<128x128xf32, #tpu.memory_space<vmem>>, %arg12: memref<10240x128xf32, #tpu.memory_space<vmem_shared>>, %arg13: memref<!tpu.dma_semaphore, #tpu.memory_space<semaphore_mem>>) attributes {dimension_semantics = [#tpu.dimension_semantics<core_parallel>, #tpu.dimension_semantics<subcore_parallel>], iteration_bounds = array<i64: 2, 16>, scalar_prefetch = 0 : i64, scratch_operands = 5 : i64, tpu.core_type = #tpu.core_type<sc_vector_subcore>, window_params = [{transform_indices = #map}, {transform_indices = #map1}, {transform_indices = #map1}, {transform_indices = #map1}, {transform_indices = #map1}, {transform_indices = #map}, {transform_indices = #map1}]} {
    %mul3A = arith.constant 640 : i32
    %mul3A_0 = arith.muli %arg1, %mul3A : i32
    %mul3A_1 = arith.constant 640 : i32
    %mul3A_2 = arith.muli %arg1, %mul3A_1 : i32
    "tpu.region"() ({
      %run_scoped3A = tpu.sem_alloc : memref<!tpu.dma_semaphore, #tpu.memory_space<semaphore_mem>>
      %dma_start3A = arith.constant 0 : i32
      %dma_start3A_15 = tpu.memref_slice %arg12[%mul3A_2, %dma_start3A] : memref<10240x128xf32, #tpu.memory_space<vmem_shared>> -> memref<640x128xf32, #tpu.memory_space<vmem_shared>>
      %dma_start3A_16 = arith.constant 0 : i32
      %dma_start3A_17 = tpu.memref_slice %arg7[%mul3A_0, %dma_start3A_16] : memref<10240x128xf32, #tpu.memory_space<hbm>> -> memref<640x128xf32, #tpu.memory_space<hbm>>
      tpu.enqueue_dma source(%dma_start3A_17 : memref<640x128xf32, #tpu.memory_space<hbm>>) target(%dma_start3A_15 : memref<640x128xf32, #tpu.memory_space<vmem_shared>>) target_semaphore(%run_scoped3A : memref<!tpu.dma_semaphore, #tpu.memory_space<semaphore_mem>>)
      %dma_wait3A = arith.constant 0 : i32
      %dma_wait3A_18 = tpu.memref_slice %arg12[%mul3A_2, %dma_wait3A] : memref<10240x128xf32, #tpu.memory_space<vmem_shared>> -> memref<640x128xf32, #tpu.memory_space<vmem_shared>>
      %dma_wait3A_19 = arith.constant 0 : i32
      %dma_wait3A_20 = tpu.memref_slice %arg7[%mul3A_0, %dma_wait3A_19] : memref<10240x128xf32, #tpu.memory_space<hbm>> -> memref<640x128xf32, #tpu.memory_space<hbm>>
      tpu.wait_dma2 semaphore(%run_scoped3A : memref<!tpu.dma_semaphore, #tpu.memory_space<semaphore_mem>>) src(%dma_wait3A_20 : memref<640x128xf32, #tpu.memory_space<hbm>>) dst(%dma_wait3A_18 : memref<640x128xf32, #tpu.memory_space<vmem_shared>>)
      tpu.yield
    }) : () -> ()
    %barrier3A = arith.constant 0 : index
    tpu.barrier barrier_id(%barrier3A)
    %eq3A = arith.constant 0 : i32
    %eq3A_3 = arith.cmpi eq, %arg0, %eq3A : i32
    %convert_element_type3A = arith.extui %eq3A_3 : i1 to i32
    %cond3A = arith.constant 0 : i32
    %cond3A_4 = arith.cmpi ne, %convert_element_type3A, %cond3A : i32
    scf.if %cond3A_4 {
      "tpu.region"() ({
        %run_scoped3A = tpu.sem_alloc : memref<!tpu.dma_semaphore, #tpu.memory_space<semaphore_mem>>
        %dma_start3A = arith.constant 0 : i32
        %dma_start3A_19 = arith.constant 0 : i32
        %dma_start3A_20 = tpu.memref_slice %arg9[%dma_start3A, %dma_start3A_19] : memref<102x128xi32, #tpu.memory_space<vmem>> -> memref<58x128xi32, #tpu.memory_space<vmem>>
        %dma_start3A_21 = arith.constant 0 : i32
        %dma_start3A_22 = arith.constant 0 : i32
        %dma_start3A_23 = tpu.memref_slice %arg3[%arg1, %dma_start3A_21, %dma_start3A_22] : memref<16x58x128xi32, #tpu.memory_space<hbm>> -> memref<1x58x128xi32, #tpu.memory_space<hbm>>
        %dma_start3A_24 = tpu.memref_squeeze %dma_start3A_23 : memref<1x58x128xi32, #tpu.memory_space<hbm>> -> memref<58x128xi32, #tpu.memory_space<hbm>>
        %dma_start3A_25 = arith.constant 0 : i32
        %dma_start3A_26 = arith.constant 0 : i32
        %dma_start3A_27 = tpu.memref_slice %arg9[%dma_start3A_25, %dma_start3A_26] : memref<102x128xi32, #tpu.memory_space<vmem>> -> memref<58x128xi32, #tpu.memory_space<vmem>>
        %dma_start3A_28 = arith.constant 0 : i32
        %dma_start3A_29 = arith.constant 0 : i32
        %dma_start3A_30 = tpu.memref_slice %arg3[%arg1, %dma_start3A_28, %dma_start3A_29] : memref<16x58x128xi32, #tpu.memory_space<hbm>> -> memref<1x58x128xi32, #tpu.memory_space<hbm>>
        %dma_start3A_31 = tpu.memref_squeeze %dma_start3A_30 : memref<1x58x128xi32, #tpu.memory_space<hbm>> -> memref<58x128xi32, #tpu.memory_space<hbm>>
        tpu.enqueue_dma source(%dma_start3A_31 : memref<58x128xi32, #tpu.memory_space<hbm>>) target(%dma_start3A_27 : memref<58x128xi32, #tpu.memory_space<vmem>>) target_semaphore(%run_scoped3A : memref<!tpu.dma_semaphore, #tpu.memory_space<semaphore_mem>>)
        %dma_wait3A = arith.constant 0 : i32
        %dma_wait3A_32 = arith.constant 0 : i32
        %dma_wait3A_33 = tpu.memref_slice %arg9[%dma_wait3A, %dma_wait3A_32] : memref<102x128xi32, #tpu.memory_space<vmem>> -> memref<58x128xi32, #tpu.memory_space<vmem>>
        %dma_wait3A_34 = arith.constant 0 : i32
        %dma_wait3A_35 = arith.constant 0 : i32
        %dma_wait3A_36 = tpu.memref_slice %arg3[%arg1, %dma_wait3A_34, %dma_wait3A_35] : memref<16x58x128xi32, #tpu.memory_space<hbm>> -> memref<1x58x128xi32, #tpu.memory_space<hbm>>
        %dma_wait3A_37 = tpu.memref_squeeze %dma_wait3A_36 : memref<1x58x128xi32, #tpu.memory_space<hbm>> -> memref<58x128xi32, #tpu.memory_space<hbm>>
        %dma_wait3A_38 = arith.constant 0 : i32
        %dma_wait3A_39 = arith.constant 0 : i32
        %dma_wait3A_40 = tpu.memref_slice %arg9[%dma_wait3A_38, %dma_wait3A_39] : memref<102x128xi32, #tpu.memory_space<vmem>> -> memref<58x128xi32, #tpu.memory_space<vmem>>
        %dma_wait3A_41 = arith.constant 0 : i32
        %dma_wait3A_42 = arith.constant 0 : i32
        %dma_wait3A_43 = tpu.memref_slice %arg3[%arg1, %dma_wait3A_41, %dma_wait3A_42] : memref<16x58x128xi32, #tpu.memory_space<hbm>> -> memref<1x58x128xi32, #tpu.memory_space<hbm>>
        %dma_wait3A_44 = tpu.memref_squeeze %dma_wait3A_43 : memref<1x58x128xi32, #tpu.memory_space<hbm>> -> memref<58x128xi32, #tpu.memory_space<hbm>>
        tpu.wait_dma2 semaphore(%run_scoped3A : memref<!tpu.dma_semaphore, #tpu.memory_space<semaphore_mem>>) src(%dma_wait3A_44 : memref<58x128xi32, #tpu.memory_space<hbm>>) dst(%dma_wait3A_40 : memref<58x128xi32, #tpu.memory_space<vmem>>)
        tpu.yield
      }) : () -> ()
      "tpu.region"() ({
        %run_scoped3A = tpu.sem_alloc : memref<!tpu.dma_semaphore, #tpu.memory_space<semaphore_mem>>
        %dma_start3A = arith.constant 0 : i32
        %dma_start3A_19 = arith.constant 0 : i32
        %dma_start3A_20 = tpu.memref_slice %arg10[%dma_start3A, %dma_start3A_19] : memref<102x128xi32, #tpu.memory_space<vmem>> -> memref<58x128xi32, #tpu.memory_space<vmem>>
        %dma_start3A_21 = arith.constant 0 : i32
        %dma_start3A_22 = arith.constant 0 : i32
        %dma_start3A_23 = tpu.memref_slice %arg4[%arg1, %dma_start3A_21, %dma_start3A_22] : memref<16x58x128xi32, #tpu.memory_space<hbm>> -> memref<1x58x128xi32, #tpu.memory_space<hbm>>
        %dma_start3A_24 = tpu.memref_squeeze %dma_start3A_23 : memref<1x58x128xi32, #tpu.memory_space<hbm>> -> memref<58x128xi32, #tpu.memory_space<hbm>>
        %dma_start3A_25 = arith.constant 0 : i32
        %dma_start3A_26 = arith.constant 0 : i32
        %dma_start3A_27 = tpu.memref_slice %arg10[%dma_start3A_25, %dma_start3A_26] : memref<102x128xi32, #tpu.memory_space<vmem>> -> memref<58x128xi32, #tpu.memory_space<vmem>>
        %dma_start3A_28 = arith.constant 0 : i32
        %dma_start3A_29 = arith.constant 0 : i32
        %dma_start3A_30 = tpu.memref_slice %arg4[%arg1, %dma_start3A_28, %dma_start3A_29] : memref<16x58x128xi32, #tpu.memory_space<hbm>> -> memref<1x58x128xi32, #tpu.memory_space<hbm>>
        %dma_start3A_31 = tpu.memref_squeeze %dma_start3A_30 : memref<1x58x128xi32, #tpu.memory_space<hbm>> -> memref<58x128xi32, #tpu.memory_space<hbm>>
        tpu.enqueue_dma source(%dma_start3A_31 : memref<58x128xi32, #tpu.memory_space<hbm>>) target(%dma_start3A_27 : memref<58x128xi32, #tpu.memory_space<vmem>>) target_semaphore(%run_scoped3A : memref<!tpu.dma_semaphore, #tpu.memory_space<semaphore_mem>>)
        %dma_wait3A = arith.constant 0 : i32
        %dma_wait3A_32 = arith.constant 0 : i32
        %dma_wait3A_33 = tpu.memref_slice %arg10[%dma_wait3A, %dma_wait3A_32] : memref<102x128xi32, #tpu.memory_space<vmem>> -> memref<58x128xi32, #tpu.memory_space<vmem>>
        %dma_wait3A_34 = arith.constant 0 : i32
        %dma_wait3A_35 = arith.constant 0 : i32
        %dma_wait3A_36 = tpu.memref_slice %arg4[%arg1, %dma_wait3A_34, %dma_wait3A_35] : memref<16x58x128xi32, #tpu.memory_space<hbm>> -> memref<1x58x128xi32, #tpu.memory_space<hbm>>
        %dma_wait3A_37 = tpu.memref_squeeze %dma_wait3A_36 : memref<1x58x128xi32, #tpu.memory_space<hbm>> -> memref<58x128xi32, #tpu.memory_space<hbm>>
        %dma_wait3A_38 = arith.constant 0 : i32
        %dma_wait3A_39 = arith.constant 0 : i32
        %dma_wait3A_40 = tpu.memref_slice %arg10[%dma_wait3A_38, %dma_wait3A_39] : memref<102x128xi32, #tpu.memory_space<vmem>> -> memref<58x128xi32, #tpu.memory_space<vmem>>
        %dma_wait3A_41 = arith.constant 0 : i32
        %dma_wait3A_42 = arith.constant 0 : i32
        %dma_wait3A_43 = tpu.memref_slice %arg4[%arg1, %dma_wait3A_41, %dma_wait3A_42] : memref<16x58x128xi32, #tpu.memory_space<hbm>> -> memref<1x58x128xi32, #tpu.memory_space<hbm>>
        %dma_wait3A_44 = tpu.memref_squeeze %dma_wait3A_43 : memref<1x58x128xi32, #tpu.memory_space<hbm>> -> memref<58x128xi32, #tpu.memory_space<hbm>>
        tpu.wait_dma2 semaphore(%run_scoped3A : memref<!tpu.dma_semaphore, #tpu.memory_space<semaphore_mem>>) src(%dma_wait3A_44 : memref<58x128xi32, #tpu.memory_space<hbm>>) dst(%dma_wait3A_40 : memref<58x128xi32, #tpu.memory_space<vmem>>)
        tpu.yield
      }) : () -> ()
      %scan3A = arith.constant 0 : i32
      %scan3A_15 = arith.constant 58 : i32
      %scan3A_16 = arith.addi %scan3A, %scan3A_15 : i32
      %scan3A_17 = arith.constant 1 : i32
      scf.for %scan3A_19 = %scan3A to %scan3A_16 step %scan3A_17  : i32 {
        %mul3A_20 = arith.constant 1 : i32
        %mul3A_21 = arith.muli %scan3A_19, %mul3A_20 : i32
        %add3A = arith.constant 0 : i32
        %add3A_22 = arith.addi %add3A, %mul3A_21 : i32
        %dma_start3A = arith.constant 0 : i32
        %dma_start3A_23 = tpu.memref_slice %arg9[%add3A_22, %dma_start3A] : memref<102x128xi32, #tpu.memory_space<vmem>> -> memref<1x128xi32, #tpu.memory_space<vmem>>
        %dma_start3A_24 = tpu.memref_squeeze %dma_start3A_23 : memref<1x128xi32, #tpu.memory_space<vmem>> -> memref<128xi32, #tpu.memory_space<vmem>>
        %dma_start3A_25 = arith.constant 0 : i32
        %dma_start3A_26 = arith.constant 0 : i32
        %dma_start3A_27 = tpu.memref_slice %arg2[%dma_start3A_25, %dma_start3A_26] : memref<10000x128xf32, #tpu.memory_space<hbm>> -> memref<10000x128xf32, #tpu.memory_space<hbm>>
        tpu.enqueue_indirect_dma source(%dma_start3A_27 : memref<10000x128xf32, #tpu.memory_space<hbm>>) target(%arg11 : memref<128x128xf32, #tpu.memory_space<vmem>>) offsets(%dma_start3A_24 : memref<128xi32, #tpu.memory_space<vmem>>) semaphore(%arg13 : memref<!tpu.dma_semaphore, #tpu.memory_space<semaphore_mem>>)
        %dma_wait3A = arith.constant 0 : i32
        %dma_wait3A_28 = tpu.memref_slice %arg9[%add3A_22, %dma_wait3A] : memref<102x128xi32, #tpu.memory_space<vmem>> -> memref<1x128xi32, #tpu.memory_space<vmem>>
        %dma_wait3A_29 = tpu.memref_squeeze %dma_wait3A_28 : memref<1x128xi32, #tpu.memory_space<vmem>> -> memref<128xi32, #tpu.memory_space<vmem>>
        %dma_wait3A_30 = arith.constant 0 : i32
        %dma_wait3A_31 = arith.constant 0 : i32
        %dma_wait3A_32 = tpu.memref_slice %arg2[%dma_wait3A_30, %dma_wait3A_31] : memref<10000x128xf32, #tpu.memory_space<hbm>> -> memref<10000x128xf32, #tpu.memory_space<hbm>>
        tpu.wait_indirect_dma semaphore(%arg13 : memref<!tpu.dma_semaphore, #tpu.memory_space<semaphore_mem>>) src(%dma_wait3A_32 : memref<10000x128xf32, #tpu.memory_space<hbm>>) dst(%arg11 : memref<128x128xf32, #tpu.memory_space<vmem>>)
        "tpu.region"() ({
          %run_scoped3A = tpu.sem_alloc : memref<!tpu.dma_semaphore, #tpu.memory_space<semaphore_mem>>
          %dma_start3A_33 = arith.constant 0 : i32
          %dma_start3A_34 = tpu.memref_slice %arg10[%add3A_22, %dma_start3A_33] : memref<102x128xi32, #tpu.memory_space<vmem>> -> memref<1x128xi32, #tpu.memory_space<vmem>>
          %dma_start3A_35 = tpu.memref_squeeze %dma_start3A_34 : memref<1x128xi32, #tpu.memory_space<vmem>> -> memref<128xi32, #tpu.memory_space<vmem>>
          %dma_start3A_36 = arith.constant 0 : i32
          %dma_start3A_37 = arith.constant 0 : i32
          %dma_start3A_38 = tpu.memref_slice %arg12[%dma_start3A_36, %dma_start3A_37] : memref<10240x128xf32, #tpu.memory_space<vmem_shared>> -> memref<10240x128xf32, #tpu.memory_space<vmem_shared>>
          tpu.enqueue_indirect_dma source(%arg11 : memref<128x128xf32, #tpu.memory_space<vmem>>) target(%dma_start3A_38 : memref<10240x128xf32, #tpu.memory_space<vmem_shared>>) offsets(%dma_start3A_35 : memref<128xi32, #tpu.memory_space<vmem>>) semaphore(%run_scoped3A : memref<!tpu.dma_semaphore, #tpu.memory_space<semaphore_mem>>) {add = true}
          %dma_wait3A_39 = arith.constant 0 : i32
          %dma_wait3A_40 = tpu.memref_slice %arg10[%add3A_22, %dma_wait3A_39] : memref<102x128xi32, #tpu.memory_space<vmem>> -> memref<1x128xi32, #tpu.memory_space<vmem>>
          %dma_wait3A_41 = tpu.memref_squeeze %dma_wait3A_40 : memref<1x128xi32, #tpu.memory_space<vmem>> -> memref<128xi32, #tpu.memory_space<vmem>>
          %dma_wait3A_42 = arith.constant 0 : i32
          %dma_wait3A_43 = arith.constant 0 : i32
          %dma_wait3A_44 = tpu.memref_slice %arg12[%dma_wait3A_42, %dma_wait3A_43] : memref<10240x128xf32, #tpu.memory_space<vmem_shared>> -> memref<10240x128xf32, #tpu.memory_space<vmem_shared>>
          tpu.wait_indirect_dma semaphore(%run_scoped3A : memref<!tpu.dma_semaphore, #tpu.memory_space<semaphore_mem>>) src(%arg11 : memref<128x128xf32, #tpu.memory_space<vmem>>) dst(%dma_wait3A_44 : memref<10240x128xf32, #tpu.memory_space<vmem_shared>>)
          tpu.yield
        }) : () -> ()
      }
      %scan3A_18 = arith.constant 58 : i32
    } else {
    }
    %eq3A_5 = arith.constant 1 : i32
    %eq3A_6 = arith.cmpi eq, %arg0, %eq3A_5 : i32
    %convert_element_type3A_7 = arith.extui %eq3A_6 : i1 to i32
    %cond3A_8 = arith.constant 0 : i32
    %cond3A_9 = arith.cmpi ne, %convert_element_type3A_7, %cond3A_8 : i32
    scf.if %cond3A_9 {
      "tpu.region"() ({
        %run_scoped3A = tpu.sem_alloc : memref<!tpu.dma_semaphore, #tpu.memory_space<semaphore_mem>>
        %dma_start3A = arith.constant 0 : i32
        %dma_start3A_19 = arith.constant 0 : i32
        %dma_start3A_20 = tpu.memref_slice %arg9[%dma_start3A, %dma_start3A_19] : memref<102x128xi32, #tpu.memory_space<vmem>> -> memref<102x128xi32, #tpu.memory_space<vmem>>
        %dma_start3A_21 = arith.constant 0 : i32
        %dma_start3A_22 = arith.constant 0 : i32
        %dma_start3A_23 = tpu.memref_slice %arg5[%arg1, %dma_start3A_21, %dma_start3A_22] : memref<16x102x128xi32, #tpu.memory_space<hbm>> -> memref<1x102x128xi32, #tpu.memory_space<hbm>>
        %dma_start3A_24 = tpu.memref_squeeze %dma_start3A_23 : memref<1x102x128xi32, #tpu.memory_space<hbm>> -> memref<102x128xi32, #tpu.memory_space<hbm>>
        %dma_start3A_25 = arith.constant 0 : i32
        %dma_start3A_26 = arith.constant 0 : i32
        %dma_start3A_27 = tpu.memref_slice %arg9[%dma_start3A_25, %dma_start3A_26] : memref<102x128xi32, #tpu.memory_space<vmem>> -> memref<102x128xi32, #tpu.memory_space<vmem>>
        %dma_start3A_28 = arith.constant 0 : i32
        %dma_start3A_29 = arith.constant 0 : i32
        %dma_start3A_30 = tpu.memref_slice %arg5[%arg1, %dma_start3A_28, %dma_start3A_29] : memref<16x102x128xi32, #tpu.memory_space<hbm>> -> memref<1x102x128xi32, #tpu.memory_space<hbm>>
        %dma_start3A_31 = tpu.memref_squeeze %dma_start3A_30 : memref<1x102x128xi32, #tpu.memory_space<hbm>> -> memref<102x128xi32, #tpu.memory_space<hbm>>
        tpu.enqueue_dma source(%dma_start3A_31 : memref<102x128xi32, #tpu.memory_space<hbm>>) target(%dma_start3A_27 : memref<102x128xi32, #tpu.memory_space<vmem>>) target_semaphore(%run_scoped3A : memref<!tpu.dma_semaphore, #tpu.memory_space<semaphore_mem>>)
        %dma_wait3A = arith.constant 0 : i32
        %dma_wait3A_32 = arith.constant 0 : i32
        %dma_wait3A_33 = tpu.memref_slice %arg9[%dma_wait3A, %dma_wait3A_32] : memref<102x128xi32, #tpu.memory_space<vmem>> -> memref<102x128xi32, #tpu.memory_space<vmem>>
        %dma_wait3A_34 = arith.constant 0 : i32
        %dma_wait3A_35 = arith.constant 0 : i32
        %dma_wait3A_36 = tpu.memref_slice %arg5[%arg1, %dma_wait3A_34, %dma_wait3A_35] : memref<16x102x128xi32, #tpu.memory_space<hbm>> -> memref<1x102x128xi32, #tpu.memory_space<hbm>>
        %dma_wait3A_37 = tpu.memref_squeeze %dma_wait3A_36 : memref<1x102x128xi32, #tpu.memory_space<hbm>> -> memref<102x128xi32, #tpu.memory_space<hbm>>
        %dma_wait3A_38 = arith.constant 0 : i32
        %dma_wait3A_39 = arith.constant 0 : i32
        %dma_wait3A_40 = tpu.memref_slice %arg9[%dma_wait3A_38, %dma_wait3A_39] : memref<102x128xi32, #tpu.memory_space<vmem>> -> memref<102x128xi32, #tpu.memory_space<vmem>>
        %dma_wait3A_41 = arith.constant 0 : i32
        %dma_wait3A_42 = arith.constant 0 : i32
        %dma_wait3A_43 = tpu.memref_slice %arg5[%arg1, %dma_wait3A_41, %dma_wait3A_42] : memref<16x102x128xi32, #tpu.memory_space<hbm>> -> memref<1x102x128xi32, #tpu.memory_space<hbm>>
        %dma_wait3A_44 = tpu.memref_squeeze %dma_wait3A_43 : memref<1x102x128xi32, #tpu.memory_space<hbm>> -> memref<102x128xi32, #tpu.memory_space<hbm>>
        tpu.wait_dma2 semaphore(%run_scoped3A : memref<!tpu.dma_semaphore, #tpu.memory_space<semaphore_mem>>) src(%dma_wait3A_44 : memref<102x128xi32, #tpu.memory_space<hbm>>) dst(%dma_wait3A_40 : memref<102x128xi32, #tpu.memory_space<vmem>>)
        tpu.yield
      }) : () -> ()
      "tpu.region"() ({
        %run_scoped3A = tpu.sem_alloc : memref<!tpu.dma_semaphore, #tpu.memory_space<semaphore_mem>>
        %dma_start3A = arith.constant 0 : i32
        %dma_start3A_19 = arith.constant 0 : i32
        %dma_start3A_20 = tpu.memref_slice %arg10[%dma_start3A, %dma_start3A_19] : memref<102x128xi32, #tpu.memory_space<vmem>> -> memref<102x128xi32, #tpu.memory_space<vmem>>
        %dma_start3A_21 = arith.constant 0 : i32
        %dma_start3A_22 = arith.constant 0 : i32
        %dma_start3A_23 = tpu.memref_slice %arg6[%arg1, %dma_start3A_21, %dma_start3A_22] : memref<16x102x128xi32, #tpu.memory_space<hbm>> -> memref<1x102x128xi32, #tpu.memory_space<hbm>>
        %dma_start3A_24 = tpu.memref_squeeze %dma_start3A_23 : memref<1x102x128xi32, #tpu.memory_space<hbm>> -> memref<102x128xi32, #tpu.memory_space<hbm>>
        %dma_start3A_25 = arith.constant 0 : i32
        %dma_start3A_26 = arith.constant 0 : i32
        %dma_start3A_27 = tpu.memref_slice %arg10[%dma_start3A_25, %dma_start3A_26] : memref<102x128xi32, #tpu.memory_space<vmem>> -> memref<102x128xi32, #tpu.memory_space<vmem>>
        %dma_start3A_28 = arith.constant 0 : i32
        %dma_start3A_29 = arith.constant 0 : i32
        %dma_start3A_30 = tpu.memref_slice %arg6[%arg1, %dma_start3A_28, %dma_start3A_29] : memref<16x102x128xi32, #tpu.memory_space<hbm>> -> memref<1x102x128xi32, #tpu.memory_space<hbm>>
        %dma_start3A_31 = tpu.memref_squeeze %dma_start3A_30 : memref<1x102x128xi32, #tpu.memory_space<hbm>> -> memref<102x128xi32, #tpu.memory_space<hbm>>
        tpu.enqueue_dma source(%dma_start3A_31 : memref<102x128xi32, #tpu.memory_space<hbm>>) target(%dma_start3A_27 : memref<102x128xi32, #tpu.memory_space<vmem>>) target_semaphore(%run_scoped3A : memref<!tpu.dma_semaphore, #tpu.memory_space<semaphore_mem>>)
        %dma_wait3A = arith.constant 0 : i32
        %dma_wait3A_32 = arith.constant 0 : i32
        %dma_wait3A_33 = tpu.memref_slice %arg10[%dma_wait3A, %dma_wait3A_32] : memref<102x128xi32, #tpu.memory_space<vmem>> -> memref<102x128xi32, #tpu.memory_space<vmem>>
        %dma_wait3A_34 = arith.constant 0 : i32
        %dma_wait3A_35 = arith.constant 0 : i32
        %dma_wait3A_36 = tpu.memref_slice %arg6[%arg1, %dma_wait3A_34, %dma_wait3A_35] : memref<16x102x128xi32, #tpu.memory_space<hbm>> -> memref<1x102x128xi32, #tpu.memory_space<hbm>>
        %dma_wait3A_37 = tpu.memref_squeeze %dma_wait3A_36 : memref<1x102x128xi32, #tpu.memory_space<hbm>> -> memref<102x128xi32, #tpu.memory_space<hbm>>
        %dma_wait3A_38 = arith.constant 0 : i32
        %dma_wait3A_39 = arith.constant 0 : i32
        %dma_wait3A_40 = tpu.memref_slice %arg10[%dma_wait3A_38, %dma_wait3A_39] : memref<102x128xi32, #tpu.memory_space<vmem>> -> memref<102x128xi32, #tpu.memory_space<vmem>>
        %dma_wait3A_41 = arith.constant 0 : i32
        %dma_wait3A_42 = arith.constant 0 : i32
        %dma_wait3A_43 = tpu.memref_slice %arg6[%arg1, %dma_wait3A_41, %dma_wait3A_42] : memref<16x102x128xi32, #tpu.memory_space<hbm>> -> memref<1x102x128xi32, #tpu.memory_space<hbm>>
        %dma_wait3A_44 = tpu.memref_squeeze %dma_wait3A_43 : memref<1x102x128xi32, #tpu.memory_space<hbm>> -> memref<102x128xi32, #tpu.memory_space<hbm>>
        tpu.wait_dma2 semaphore(%run_scoped3A : memref<!tpu.dma_semaphore, #tpu.memory_space<semaphore_mem>>) src(%dma_wait3A_44 : memref<102x128xi32, #tpu.memory_space<hbm>>) dst(%dma_wait3A_40 : memref<102x128xi32, #tpu.memory_space<vmem>>)
        tpu.yield
      }) : () -> ()
      %scan3A = arith.constant 0 : i32
      %scan3A_15 = arith.constant 102 : i32
      %scan3A_16 = arith.addi %scan3A, %scan3A_15 : i32
      %scan3A_17 = arith.constant 1 : i32
      scf.for %scan3A_19 = %scan3A to %scan3A_16 step %scan3A_17  : i32 {
        %mul3A_20 = arith.constant 1 : i32
        %mul3A_21 = arith.muli %scan3A_19, %mul3A_20 : i32
        %add3A = arith.constant 0 : i32
        %add3A_22 = arith.addi %add3A, %mul3A_21 : i32
        %dma_start3A = arith.constant 0 : i32
        %dma_start3A_23 = tpu.memref_slice %arg9[%add3A_22, %dma_start3A] : memref<102x128xi32, #tpu.memory_space<vmem>> -> memref<1x128xi32, #tpu.memory_space<vmem>>
        %dma_start3A_24 = tpu.memref_squeeze %dma_start3A_23 : memref<1x128xi32, #tpu.memory_space<vmem>> -> memref<128xi32, #tpu.memory_space<vmem>>
        %dma_start3A_25 = arith.constant 0 : i32
        %dma_start3A_26 = arith.constant 0 : i32
        %dma_start3A_27 = tpu.memref_slice %arg2[%dma_start3A_25, %dma_start3A_26] : memref<10000x128xf32, #tpu.memory_space<hbm>> -> memref<10000x128xf32, #tpu.memory_space<hbm>>
        tpu.enqueue_indirect_dma source(%dma_start3A_27 : memref<10000x128xf32, #tpu.memory_space<hbm>>) target(%arg11 : memref<128x128xf32, #tpu.memory_space<vmem>>) offsets(%dma_start3A_24 : memref<128xi32, #tpu.memory_space<vmem>>) semaphore(%arg13 : memref<!tpu.dma_semaphore, #tpu.memory_space<semaphore_mem>>)
        %dma_wait3A = arith.constant 0 : i32
        %dma_wait3A_28 = tpu.memref_slice %arg9[%add3A_22, %dma_wait3A] : memref<102x128xi32, #tpu.memory_space<vmem>> -> memref<1x128xi32, #tpu.memory_space<vmem>>
        %dma_wait3A_29 = tpu.memref_squeeze %dma_wait3A_28 : memref<1x128xi32, #tpu.memory_space<vmem>> -> memref<128xi32, #tpu.memory_space<vmem>>
        %dma_wait3A_30 = arith.constant 0 : i32
        %dma_wait3A_31 = arith.constant 0 : i32
        %dma_wait3A_32 = tpu.memref_slice %arg2[%dma_wait3A_30, %dma_wait3A_31] : memref<10000x128xf32, #tpu.memory_space<hbm>> -> memref<10000x128xf32, #tpu.memory_space<hbm>>
        tpu.wait_indirect_dma semaphore(%arg13 : memref<!tpu.dma_semaphore, #tpu.memory_space<semaphore_mem>>) src(%dma_wait3A_32 : memref<10000x128xf32, #tpu.memory_space<hbm>>) dst(%arg11 : memref<128x128xf32, #tpu.memory_space<vmem>>)
        "tpu.region"() ({
          %run_scoped3A = tpu.sem_alloc : memref<!tpu.dma_semaphore, #tpu.memory_space<semaphore_mem>>
          %dma_start3A_33 = arith.constant 0 : i32
          %dma_start3A_34 = tpu.memref_slice %arg10[%add3A_22, %dma_start3A_33] : memref<102x128xi32, #tpu.memory_space<vmem>> -> memref<1x128xi32, #tpu.memory_space<vmem>>
          %dma_start3A_35 = tpu.memref_squeeze %dma_start3A_34 : memref<1x128xi32, #tpu.memory_space<vmem>> -> memref<128xi32, #tpu.memory_space<vmem>>
          %dma_start3A_36 = arith.constant 0 : i32
          %dma_start3A_37 = arith.constant 0 : i32
          %dma_start3A_38 = tpu.memref_slice %arg12[%dma_start3A_36, %dma_start3A_37] : memref<10240x128xf32, #tpu.memory_space<vmem_shared>> -> memref<10240x128xf32, #tpu.memory_space<vmem_shared>>
          tpu.enqueue_indirect_dma source(%arg11 : memref<128x128xf32, #tpu.memory_space<vmem>>) target(%dma_start3A_38 : memref<10240x128xf32, #tpu.memory_space<vmem_shared>>) offsets(%dma_start3A_35 : memref<128xi32, #tpu.memory_space<vmem>>) semaphore(%run_scoped3A : memref<!tpu.dma_semaphore, #tpu.memory_space<semaphore_mem>>) {add = true}
          %dma_wait3A_39 = arith.constant 0 : i32
          %dma_wait3A_40 = tpu.memref_slice %arg10[%add3A_22, %dma_wait3A_39] : memref<102x128xi32, #tpu.memory_space<vmem>> -> memref<1x128xi32, #tpu.memory_space<vmem>>
          %dma_wait3A_41 = tpu.memref_squeeze %dma_wait3A_40 : memref<1x128xi32, #tpu.memory_space<vmem>> -> memref<128xi32, #tpu.memory_space<vmem>>
          %dma_wait3A_42 = arith.constant 0 : i32
          %dma_wait3A_43 = arith.constant 0 : i32
          %dma_wait3A_44 = tpu.memref_slice %arg12[%dma_wait3A_42, %dma_wait3A_43] : memref<10240x128xf32, #tpu.memory_space<vmem_shared>> -> memref<10240x128xf32, #tpu.memory_space<vmem_shared>>
          tpu.wait_indirect_dma semaphore(%run_scoped3A : memref<!tpu.dma_semaphore, #tpu.memory_space<semaphore_mem>>) src(%arg11 : memref<128x128xf32, #tpu.memory_space<vmem>>) dst(%dma_wait3A_44 : memref<10240x128xf32, #tpu.memory_space<vmem_shared>>)
          tpu.yield
        }) : () -> ()
      }
      %scan3A_18 = arith.constant 102 : i32
    } else {
    }
    %barrier3A_10 = arith.constant 0 : index
    tpu.barrier barrier_id(%barrier3A_10)
    %mul3A_11 = arith.constant 640 : i32
    %mul3A_12 = arith.muli %arg1, %mul3A_11 : i32
    %mul3A_13 = arith.constant 640 : i32
    %mul3A_14 = arith.muli %arg1, %mul3A_13 : i32
    "tpu.region"() ({
      %run_scoped3A = tpu.sem_alloc : memref<!tpu.dma_semaphore, #tpu.memory_space<semaphore_mem>>
      %dma_start3A = arith.constant 0 : i32
      %dma_start3A_15 = tpu.memref_slice %arg8[%arg0, %mul3A_14, %dma_start3A] : memref<2x10240x128xf32, #tpu.memory_space<hbm>> -> memref<1x640x128xf32, #tpu.memory_space<hbm>>
      %dma_start3A_16 = tpu.memref_squeeze %dma_start3A_15 : memref<1x640x128xf32, #tpu.memory_space<hbm>> -> memref<640x128xf32, #tpu.memory_space<hbm>>
      %dma_start3A_17 = arith.constant 0 : i32
      %dma_start3A_18 = tpu.memref_slice %arg12[%mul3A_12, %dma_start3A_17] : memref<10240x128xf32, #tpu.memory_space<vmem_shared>> -> memref<640x128xf32, #tpu.memory_space<vmem_shared>>
      tpu.enqueue_dma source(%dma_start3A_18 : memref<640x128xf32, #tpu.memory_space<vmem_shared>>) target(%dma_start3A_16 : memref<640x128xf32, #tpu.memory_space<hbm>>) target_semaphore(%run_scoped3A : memref<!tpu.dma_semaphore, #tpu.memory_space<semaphore_mem>>)
      %dma_wait3A = arith.constant 0 : i32
      %dma_wait3A_19 = tpu.memref_slice %arg8[%arg0, %mul3A_14, %dma_wait3A] : memref<2x10240x128xf32, #tpu.memory_space<hbm>> -> memref<1x640x128xf32, #tpu.memory_space<hbm>>
      %dma_wait3A_20 = tpu.memref_squeeze %dma_wait3A_19 : memref<1x640x128xf32, #tpu.memory_space<hbm>> -> memref<640x128xf32, #tpu.memory_space<hbm>>
      %dma_wait3A_21 = arith.constant 0 : i32
      %dma_wait3A_22 = tpu.memref_slice %arg12[%mul3A_12, %dma_wait3A_21] : memref<10240x128xf32, #tpu.memory_space<vmem_shared>> -> memref<640x128xf32, #tpu.memory_space<vmem_shared>>
      tpu.wait_dma2 semaphore(%run_scoped3A : memref<!tpu.dma_semaphore, #tpu.memory_space<semaphore_mem>>) src(%dma_wait3A_22 : memref<640x128xf32, #tpu.memory_space<vmem_shared>>) dst(%dma_wait3A_20 : memref<640x128xf32, #tpu.memory_space<hbm>>)
      tpu.yield
    }) : () -> ()
    return
  }
}

#map = affine_map<(d0, d1) -> (0, 0)>
#map1 = affine_map<(d0, d1) -> (0, 0, 0)>
module attributes {stable_mosaic.version = 14 : i64} {
  func.func @_agg_sc(%arg0: i32, %arg1: i32, %arg2: memref<10000x128xf32, #tpu.memory_space<hbm>>, %arg3: memref<16x58x128xi32, #tpu.memory_space<hbm>>, %arg4: memref<16x58x128xi32, #tpu.memory_space<hbm>>, %arg5: memref<16x102x128xi32, #tpu.memory_space<hbm>>, %arg6: memref<16x102x128xi32, #tpu.memory_space<hbm>>, %arg7: memref<10240x128xf32, #tpu.memory_space<hbm>>, %arg8: memref<2x10240x128xf32, #tpu.memory_space<hbm>>, %arg9: memref<102x128xi32, #tpu.memory_space<vmem>>, %arg10: memref<102x128xi32, #tpu.memory_space<vmem>>, %arg11: memref<128x128xf32, #tpu.memory_space<vmem>>, %arg12: memref<10240x128xf32, #tpu.memory_space<vmem_shared>>, %arg13: memref<!tpu.dma_semaphore, #tpu.memory_space<semaphore_mem>>) attributes {dimension_semantics = [#tpu.dimension_semantics<core_parallel>, #tpu.dimension_semantics<subcore_parallel>], iteration_bounds = array<i64: 2, 16>, scalar_prefetch = 0 : i64, scratch_operands = 5 : i64, tpu.core_type = #tpu.core_type<sc_vector_subcore>, window_params = [{transform_indices = #map}, {transform_indices = #map1}, {transform_indices = #map1}, {transform_indices = #map1}, {transform_indices = #map1}, {transform_indices = #map}, {transform_indices = #map1}]} {
    %mul3A = arith.constant 640 : i32
    %mul3A_0 = arith.muli %arg1, %mul3A : i32
    %mul3A_1 = arith.constant 640 : i32
    %mul3A_2 = arith.muli %arg1, %mul3A_1 : i32
    "tpu.region"() ({
      %run_scoped3A = tpu.sem_alloc : memref<!tpu.dma_semaphore, #tpu.memory_space<semaphore_mem>>
      %dma_start3A = arith.constant 0 : i32
      %dma_start3A_15 = tpu.memref_slice %arg12[%mul3A_2, %dma_start3A] : memref<10240x128xf32, #tpu.memory_space<vmem_shared>> -> memref<640x128xf32, #tpu.memory_space<vmem_shared>>
      %dma_start3A_16 = arith.constant 0 : i32
      %dma_start3A_17 = tpu.memref_slice %arg7[%mul3A_0, %dma_start3A_16] : memref<10240x128xf32, #tpu.memory_space<hbm>> -> memref<640x128xf32, #tpu.memory_space<hbm>>
      tpu.enqueue_dma source(%dma_start3A_17 : memref<640x128xf32, #tpu.memory_space<hbm>>) target(%dma_start3A_15 : memref<640x128xf32, #tpu.memory_space<vmem_shared>>) target_semaphore(%run_scoped3A : memref<!tpu.dma_semaphore, #tpu.memory_space<semaphore_mem>>)
      %dma_wait3A = arith.constant 0 : i32
      %dma_wait3A_18 = tpu.memref_slice %arg12[%mul3A_2, %dma_wait3A] : memref<10240x128xf32, #tpu.memory_space<vmem_shared>> -> memref<640x128xf32, #tpu.memory_space<vmem_shared>>
      %dma_wait3A_19 = arith.constant 0 : i32
      %dma_wait3A_20 = tpu.memref_slice %arg7[%mul3A_0, %dma_wait3A_19] : memref<10240x128xf32, #tpu.memory_space<hbm>> -> memref<640x128xf32, #tpu.memory_space<hbm>>
      tpu.wait_dma2 semaphore(%run_scoped3A : memref<!tpu.dma_semaphore, #tpu.memory_space<semaphore_mem>>) src(%dma_wait3A_20 : memref<640x128xf32, #tpu.memory_space<hbm>>) dst(%dma_wait3A_18 : memref<640x128xf32, #tpu.memory_space<vmem_shared>>)
      tpu.yield
    }) : () -> ()
    %barrier3A = arith.constant 0 : index
    tpu.barrier barrier_id(%barrier3A)
    %eq3A = arith.constant 0 : i32
    %eq3A_3 = arith.cmpi eq, %arg0, %eq3A : i32
    %convert_element_type3A = arith.extui %eq3A_3 : i1 to i32
    %cond3A = arith.constant 0 : i32
    %cond3A_4 = arith.cmpi ne, %convert_element_type3A, %cond3A : i32
    scf.if %cond3A_4 {
      "tpu.region"() ({
        %run_scoped3A = tpu.sem_alloc : memref<!tpu.dma_semaphore, #tpu.memory_space<semaphore_mem>>
        %dma_start3A = arith.constant 0 : i32
        %dma_start3A_19 = arith.constant 0 : i32
        %dma_start3A_20 = tpu.memref_slice %arg9[%dma_start3A, %dma_start3A_19] : memref<102x128xi32, #tpu.memory_space<vmem>> -> memref<58x128xi32, #tpu.memory_space<vmem>>
        %dma_start3A_21 = arith.constant 0 : i32
        %dma_start3A_22 = arith.constant 0 : i32
        %dma_start3A_23 = tpu.memref_slice %arg3[%arg1, %dma_start3A_21, %dma_start3A_22] : memref<16x58x128xi32, #tpu.memory_space<hbm>> -> memref<1x58x128xi32, #tpu.memory_space<hbm>>
        %dma_start3A_24 = tpu.memref_squeeze %dma_start3A_23 : memref<1x58x128xi32, #tpu.memory_space<hbm>> -> memref<58x128xi32, #tpu.memory_space<hbm>>
        %dma_start3A_25 = arith.constant 0 : i32
        %dma_start3A_26 = arith.constant 0 : i32
        %dma_start3A_27 = tpu.memref_slice %arg9[%dma_start3A_25, %dma_start3A_26] : memref<102x128xi32, #tpu.memory_space<vmem>> -> memref<58x128xi32, #tpu.memory_space<vmem>>
        %dma_start3A_28 = arith.constant 0 : i32
        %dma_start3A_29 = arith.constant 0 : i32
        %dma_start3A_30 = tpu.memref_slice %arg3[%arg1, %dma_start3A_28, %dma_start3A_29] : memref<16x58x128xi32, #tpu.memory_space<hbm>> -> memref<1x58x128xi32, #tpu.memory_space<hbm>>
        %dma_start3A_31 = tpu.memref_squeeze %dma_start3A_30 : memref<1x58x128xi32, #tpu.memory_space<hbm>> -> memref<58x128xi32, #tpu.memory_space<hbm>>
        tpu.enqueue_dma source(%dma_start3A_31 : memref<58x128xi32, #tpu.memory_space<hbm>>) target(%dma_start3A_27 : memref<58x128xi32, #tpu.memory_space<vmem>>) target_semaphore(%run_scoped3A : memref<!tpu.dma_semaphore, #tpu.memory_space<semaphore_mem>>)
        %dma_wait3A = arith.constant 0 : i32
        %dma_wait3A_32 = arith.constant 0 : i32
        %dma_wait3A_33 = tpu.memref_slice %arg9[%dma_wait3A, %dma_wait3A_32] : memref<102x128xi32, #tpu.memory_space<vmem>> -> memref<58x128xi32, #tpu.memory_space<vmem>>
        %dma_wait3A_34 = arith.constant 0 : i32
        %dma_wait3A_35 = arith.constant 0 : i32
        %dma_wait3A_36 = tpu.memref_slice %arg3[%arg1, %dma_wait3A_34, %dma_wait3A_35] : memref<16x58x128xi32, #tpu.memory_space<hbm>> -> memref<1x58x128xi32, #tpu.memory_space<hbm>>
        %dma_wait3A_37 = tpu.memref_squeeze %dma_wait3A_36 : memref<1x58x128xi32, #tpu.memory_space<hbm>> -> memref<58x128xi32, #tpu.memory_space<hbm>>
        %dma_wait3A_38 = arith.constant 0 : i32
        %dma_wait3A_39 = arith.constant 0 : i32
        %dma_wait3A_40 = tpu.memref_slice %arg9[%dma_wait3A_38, %dma_wait3A_39] : memref<102x128xi32, #tpu.memory_space<vmem>> -> memref<58x128xi32, #tpu.memory_space<vmem>>
        %dma_wait3A_41 = arith.constant 0 : i32
        %dma_wait3A_42 = arith.constant 0 : i32
        %dma_wait3A_43 = tpu.memref_slice %arg3[%arg1, %dma_wait3A_41, %dma_wait3A_42] : memref<16x58x128xi32, #tpu.memory_space<hbm>> -> memref<1x58x128xi32, #tpu.memory_space<hbm>>
        %dma_wait3A_44 = tpu.memref_squeeze %dma_wait3A_43 : memref<1x58x128xi32, #tpu.memory_space<hbm>> -> memref<58x128xi32, #tpu.memory_space<hbm>>
        tpu.wait_dma2 semaphore(%run_scoped3A : memref<!tpu.dma_semaphore, #tpu.memory_space<semaphore_mem>>) src(%dma_wait3A_44 : memref<58x128xi32, #tpu.memory_space<hbm>>) dst(%dma_wait3A_40 : memref<58x128xi32, #tpu.memory_space<vmem>>)
        tpu.yield
      }) : () -> ()
      "tpu.region"() ({
        %run_scoped3A = tpu.sem_alloc : memref<!tpu.dma_semaphore, #tpu.memory_space<semaphore_mem>>
        %dma_start3A = arith.constant 0 : i32
        %dma_start3A_19 = arith.constant 0 : i32
        %dma_start3A_20 = tpu.memref_slice %arg10[%dma_start3A, %dma_start3A_19] : memref<102x128xi32, #tpu.memory_space<vmem>> -> memref<58x128xi32, #tpu.memory_space<vmem>>
        %dma_start3A_21 = arith.constant 0 : i32
        %dma_start3A_22 = arith.constant 0 : i32
        %dma_start3A_23 = tpu.memref_slice %arg4[%arg1, %dma_start3A_21, %dma_start3A_22] : memref<16x58x128xi32, #tpu.memory_space<hbm>> -> memref<1x58x128xi32, #tpu.memory_space<hbm>>
        %dma_start3A_24 = tpu.memref_squeeze %dma_start3A_23 : memref<1x58x128xi32, #tpu.memory_space<hbm>> -> memref<58x128xi32, #tpu.memory_space<hbm>>
        %dma_start3A_25 = arith.constant 0 : i32
        %dma_start3A_26 = arith.constant 0 : i32
        %dma_start3A_27 = tpu.memref_slice %arg10[%dma_start3A_25, %dma_start3A_26] : memref<102x128xi32, #tpu.memory_space<vmem>> -> memref<58x128xi32, #tpu.memory_space<vmem>>
        %dma_start3A_28 = arith.constant 0 : i32
        %dma_start3A_29 = arith.constant 0 : i32
        %dma_start3A_30 = tpu.memref_slice %arg4[%arg1, %dma_start3A_28, %dma_start3A_29] : memref<16x58x128xi32, #tpu.memory_space<hbm>> -> memref<1x58x128xi32, #tpu.memory_space<hbm>>
        %dma_start3A_31 = tpu.memref_squeeze %dma_start3A_30 : memref<1x58x128xi32, #tpu.memory_space<hbm>> -> memref<58x128xi32, #tpu.memory_space<hbm>>
        tpu.enqueue_dma source(%dma_start3A_31 : memref<58x128xi32, #tpu.memory_space<hbm>>) target(%dma_start3A_27 : memref<58x128xi32, #tpu.memory_space<vmem>>) target_semaphore(%run_scoped3A : memref<!tpu.dma_semaphore, #tpu.memory_space<semaphore_mem>>)
        %dma_wait3A = arith.constant 0 : i32
        %dma_wait3A_32 = arith.constant 0 : i32
        %dma_wait3A_33 = tpu.memref_slice %arg10[%dma_wait3A, %dma_wait3A_32] : memref<102x128xi32, #tpu.memory_space<vmem>> -> memref<58x128xi32, #tpu.memory_space<vmem>>
        %dma_wait3A_34 = arith.constant 0 : i32
        %dma_wait3A_35 = arith.constant 0 : i32
        %dma_wait3A_36 = tpu.memref_slice %arg4[%arg1, %dma_wait3A_34, %dma_wait3A_35] : memref<16x58x128xi32, #tpu.memory_space<hbm>> -> memref<1x58x128xi32, #tpu.memory_space<hbm>>
        %dma_wait3A_37 = tpu.memref_squeeze %dma_wait3A_36 : memref<1x58x128xi32, #tpu.memory_space<hbm>> -> memref<58x128xi32, #tpu.memory_space<hbm>>
        %dma_wait3A_38 = arith.constant 0 : i32
        %dma_wait3A_39 = arith.constant 0 : i32
        %dma_wait3A_40 = tpu.memref_slice %arg10[%dma_wait3A_38, %dma_wait3A_39] : memref<102x128xi32, #tpu.memory_space<vmem>> -> memref<58x128xi32, #tpu.memory_space<vmem>>
        %dma_wait3A_41 = arith.constant 0 : i32
        %dma_wait3A_42 = arith.constant 0 : i32
        %dma_wait3A_43 = tpu.memref_slice %arg4[%arg1, %dma_wait3A_41, %dma_wait3A_42] : memref<16x58x128xi32, #tpu.memory_space<hbm>> -> memref<1x58x128xi32, #tpu.memory_space<hbm>>
        %dma_wait3A_44 = tpu.memref_squeeze %dma_wait3A_43 : memref<1x58x128xi32, #tpu.memory_space<hbm>> -> memref<58x128xi32, #tpu.memory_space<hbm>>
        tpu.wait_dma2 semaphore(%run_scoped3A : memref<!tpu.dma_semaphore, #tpu.memory_space<semaphore_mem>>) src(%dma_wait3A_44 : memref<58x128xi32, #tpu.memory_space<hbm>>) dst(%dma_wait3A_40 : memref<58x128xi32, #tpu.memory_space<vmem>>)
        tpu.yield
      }) : () -> ()
      %scan3A = arith.constant 0 : i32
      %scan3A_15 = arith.constant 58 : i32
      %scan3A_16 = arith.addi %scan3A, %scan3A_15 : i32
      %scan3A_17 = arith.constant 1 : i32
      scf.for %scan3A_19 = %scan3A to %scan3A_16 step %scan3A_17  : i32 {
        %mul3A_20 = arith.constant 1 : i32
        %mul3A_21 = arith.muli %scan3A_19, %mul3A_20 : i32
        %add3A = arith.constant 0 : i32
        %add3A_22 = arith.addi %add3A, %mul3A_21 : i32
        %dma_start3A = arith.constant 0 : i32
        %dma_start3A_23 = tpu.memref_slice %arg9[%add3A_22, %dma_start3A] : memref<102x128xi32, #tpu.memory_space<vmem>> -> memref<1x128xi32, #tpu.memory_space<vmem>>
        %dma_start3A_24 = tpu.memref_squeeze %dma_start3A_23 : memref<1x128xi32, #tpu.memory_space<vmem>> -> memref<128xi32, #tpu.memory_space<vmem>>
        %dma_start3A_25 = arith.constant 0 : i32
        %dma_start3A_26 = arith.constant 0 : i32
        %dma_start3A_27 = tpu.memref_slice %arg2[%dma_start3A_25, %dma_start3A_26] : memref<10000x128xf32, #tpu.memory_space<hbm>> -> memref<10000x128xf32, #tpu.memory_space<hbm>>
        tpu.enqueue_indirect_dma source(%dma_start3A_27 : memref<10000x128xf32, #tpu.memory_space<hbm>>) target(%arg11 : memref<128x128xf32, #tpu.memory_space<vmem>>) offsets(%dma_start3A_24 : memref<128xi32, #tpu.memory_space<vmem>>) semaphore(%arg13 : memref<!tpu.dma_semaphore, #tpu.memory_space<semaphore_mem>>)
        %dma_wait3A = arith.constant 0 : i32
        %dma_wait3A_28 = tpu.memref_slice %arg9[%add3A_22, %dma_wait3A] : memref<102x128xi32, #tpu.memory_space<vmem>> -> memref<1x128xi32, #tpu.memory_space<vmem>>
        %dma_wait3A_29 = tpu.memref_squeeze %dma_wait3A_28 : memref<1x128xi32, #tpu.memory_space<vmem>> -> memref<128xi32, #tpu.memory_space<vmem>>
        %dma_wait3A_30 = arith.constant 0 : i32
        %dma_wait3A_31 = arith.constant 0 : i32
        %dma_wait3A_32 = tpu.memref_slice %arg2[%dma_wait3A_30, %dma_wait3A_31] : memref<10000x128xf32, #tpu.memory_space<hbm>> -> memref<10000x128xf32, #tpu.memory_space<hbm>>
        tpu.wait_indirect_dma semaphore(%arg13 : memref<!tpu.dma_semaphore, #tpu.memory_space<semaphore_mem>>) src(%dma_wait3A_32 : memref<10000x128xf32, #tpu.memory_space<hbm>>) dst(%arg11 : memref<128x128xf32, #tpu.memory_space<vmem>>)
        "tpu.region"() ({
          %run_scoped3A = tpu.sem_alloc : memref<!tpu.dma_semaphore, #tpu.memory_space<semaphore_mem>>
          %dma_start3A_33 = arith.constant 0 : i32
          %dma_start3A_34 = tpu.memref_slice %arg10[%add3A_22, %dma_start3A_33] : memref<102x128xi32, #tpu.memory_space<vmem>> -> memref<1x128xi32, #tpu.memory_space<vmem>>
          %dma_start3A_35 = tpu.memref_squeeze %dma_start3A_34 : memref<1x128xi32, #tpu.memory_space<vmem>> -> memref<128xi32, #tpu.memory_space<vmem>>
          %dma_start3A_36 = arith.constant 0 : i32
          %dma_start3A_37 = arith.constant 0 : i32
          %dma_start3A_38 = tpu.memref_slice %arg12[%dma_start3A_36, %dma_start3A_37] : memref<10240x128xf32, #tpu.memory_space<vmem_shared>> -> memref<10240x128xf32, #tpu.memory_space<vmem_shared>>
          tpu.enqueue_indirect_dma source(%arg11 : memref<128x128xf32, #tpu.memory_space<vmem>>) target(%dma_start3A_38 : memref<10240x128xf32, #tpu.memory_space<vmem_shared>>) offsets(%dma_start3A_35 : memref<128xi32, #tpu.memory_space<vmem>>) semaphore(%run_scoped3A : memref<!tpu.dma_semaphore, #tpu.memory_space<semaphore_mem>>) {add = true}
          %dma_wait3A_39 = arith.constant 0 : i32
          %dma_wait3A_40 = tpu.memref_slice %arg10[%add3A_22, %dma_wait3A_39] : memref<102x128xi32, #tpu.memory_space<vmem>> -> memref<1x128xi32, #tpu.memory_space<vmem>>
          %dma_wait3A_41 = tpu.memref_squeeze %dma_wait3A_40 : memref<1x128xi32, #tpu.memory_space<vmem>> -> memref<128xi32, #tpu.memory_space<vmem>>
          %dma_wait3A_42 = arith.constant 0 : i32
          %dma_wait3A_43 = arith.constant 0 : i32
          %dma_wait3A_44 = tpu.memref_slice %arg12[%dma_wait3A_42, %dma_wait3A_43] : memref<10240x128xf32, #tpu.memory_space<vmem_shared>> -> memref<10240x128xf32, #tpu.memory_space<vmem_shared>>
          tpu.wait_indirect_dma semaphore(%run_scoped3A : memref<!tpu.dma_semaphore, #tpu.memory_space<semaphore_mem>>) src(%arg11 : memref<128x128xf32, #tpu.memory_space<vmem>>) dst(%dma_wait3A_44 : memref<10240x128xf32, #tpu.memory_space<vmem_shared>>)
          tpu.yield
        }) : () -> ()
      }
      %scan3A_18 = arith.constant 58 : i32
    } else {
    }
    %eq3A_5 = arith.constant 1 : i32
    %eq3A_6 = arith.cmpi eq, %arg0, %eq3A_5 : i32
    %convert_element_type3A_7 = arith.extui %eq3A_6 : i1 to i32
    %cond3A_8 = arith.constant 0 : i32
    %cond3A_9 = arith.cmpi ne, %convert_element_type3A_7, %cond3A_8 : i32
    scf.if %cond3A_9 {
      "tpu.region"() ({
        %run_scoped3A = tpu.sem_alloc : memref<!tpu.dma_semaphore, #tpu.memory_space<semaphore_mem>>
        %dma_start3A = arith.constant 0 : i32
        %dma_start3A_19 = arith.constant 0 : i32
        %dma_start3A_20 = tpu.memref_slice %arg9[%dma_start3A, %dma_start3A_19] : memref<102x128xi32, #tpu.memory_space<vmem>> -> memref<102x128xi32, #tpu.memory_space<vmem>>
        %dma_start3A_21 = arith.constant 0 : i32
        %dma_start3A_22 = arith.constant 0 : i32
        %dma_start3A_23 = tpu.memref_slice %arg5[%arg1, %dma_start3A_21, %dma_start3A_22] : memref<16x102x128xi32, #tpu.memory_space<hbm>> -> memref<1x102x128xi32, #tpu.memory_space<hbm>>
        %dma_start3A_24 = tpu.memref_squeeze %dma_start3A_23 : memref<1x102x128xi32, #tpu.memory_space<hbm>> -> memref<102x128xi32, #tpu.memory_space<hbm>>
        %dma_start3A_25 = arith.constant 0 : i32
        %dma_start3A_26 = arith.constant 0 : i32
        %dma_start3A_27 = tpu.memref_slice %arg9[%dma_start3A_25, %dma_start3A_26] : memref<102x128xi32, #tpu.memory_space<vmem>> -> memref<102x128xi32, #tpu.memory_space<vmem>>
        %dma_start3A_28 = arith.constant 0 : i32
        %dma_start3A_29 = arith.constant 0 : i32
        %dma_start3A_30 = tpu.memref_slice %arg5[%arg1, %dma_start3A_28, %dma_start3A_29] : memref<16x102x128xi32, #tpu.memory_space<hbm>> -> memref<1x102x128xi32, #tpu.memory_space<hbm>>
        %dma_start3A_31 = tpu.memref_squeeze %dma_start3A_30 : memref<1x102x128xi32, #tpu.memory_space<hbm>> -> memref<102x128xi32, #tpu.memory_space<hbm>>
        tpu.enqueue_dma source(%dma_start3A_31 : memref<102x128xi32, #tpu.memory_space<hbm>>) target(%dma_start3A_27 : memref<102x128xi32, #tpu.memory_space<vmem>>) target_semaphore(%run_scoped3A : memref<!tpu.dma_semaphore, #tpu.memory_space<semaphore_mem>>)
        %dma_wait3A = arith.constant 0 : i32
        %dma_wait3A_32 = arith.constant 0 : i32
        %dma_wait3A_33 = tpu.memref_slice %arg9[%dma_wait3A, %dma_wait3A_32] : memref<102x128xi32, #tpu.memory_space<vmem>> -> memref<102x128xi32, #tpu.memory_space<vmem>>
        %dma_wait3A_34 = arith.constant 0 : i32
        %dma_wait3A_35 = arith.constant 0 : i32
        %dma_wait3A_36 = tpu.memref_slice %arg5[%arg1, %dma_wait3A_34, %dma_wait3A_35] : memref<16x102x128xi32, #tpu.memory_space<hbm>> -> memref<1x102x128xi32, #tpu.memory_space<hbm>>
        %dma_wait3A_37 = tpu.memref_squeeze %dma_wait3A_36 : memref<1x102x128xi32, #tpu.memory_space<hbm>> -> memref<102x128xi32, #tpu.memory_space<hbm>>
        %dma_wait3A_38 = arith.constant 0 : i32
        %dma_wait3A_39 = arith.constant 0 : i32
        %dma_wait3A_40 = tpu.memref_slice %arg9[%dma_wait3A_38, %dma_wait3A_39] : memref<102x128xi32, #tpu.memory_space<vmem>> -> memref<102x128xi32, #tpu.memory_space<vmem>>
        %dma_wait3A_41 = arith.constant 0 : i32
        %dma_wait3A_42 = arith.constant 0 : i32
        %dma_wait3A_43 = tpu.memref_slice %arg5[%arg1, %dma_wait3A_41, %dma_wait3A_42] : memref<16x102x128xi32, #tpu.memory_space<hbm>> -> memref<1x102x128xi32, #tpu.memory_space<hbm>>
        %dma_wait3A_44 = tpu.memref_squeeze %dma_wait3A_43 : memref<1x102x128xi32, #tpu.memory_space<hbm>> -> memref<102x128xi32, #tpu.memory_space<hbm>>
        tpu.wait_dma2 semaphore(%run_scoped3A : memref<!tpu.dma_semaphore, #tpu.memory_space<semaphore_mem>>) src(%dma_wait3A_44 : memref<102x128xi32, #tpu.memory_space<hbm>>) dst(%dma_wait3A_40 : memref<102x128xi32, #tpu.memory_space<vmem>>)
        tpu.yield
      }) : () -> ()
      "tpu.region"() ({
        %run_scoped3A = tpu.sem_alloc : memref<!tpu.dma_semaphore, #tpu.memory_space<semaphore_mem>>
        %dma_start3A = arith.constant 0 : i32
        %dma_start3A_19 = arith.constant 0 : i32
        %dma_start3A_20 = tpu.memref_slice %arg10[%dma_start3A, %dma_start3A_19] : memref<102x128xi32, #tpu.memory_space<vmem>> -> memref<102x128xi32, #tpu.memory_space<vmem>>
        %dma_start3A_21 = arith.constant 0 : i32
        %dma_start3A_22 = arith.constant 0 : i32
        %dma_start3A_23 = tpu.memref_slice %arg6[%arg1, %dma_start3A_21, %dma_start3A_22] : memref<16x102x128xi32, #tpu.memory_space<hbm>> -> memref<1x102x128xi32, #tpu.memory_space<hbm>>
        %dma_start3A_24 = tpu.memref_squeeze %dma_start3A_23 : memref<1x102x128xi32, #tpu.memory_space<hbm>> -> memref<102x128xi32, #tpu.memory_space<hbm>>
        %dma_start3A_25 = arith.constant 0 : i32
        %dma_start3A_26 = arith.constant 0 : i32
        %dma_start3A_27 = tpu.memref_slice %arg10[%dma_start3A_25, %dma_start3A_26] : memref<102x128xi32, #tpu.memory_space<vmem>> -> memref<102x128xi32, #tpu.memory_space<vmem>>
        %dma_start3A_28 = arith.constant 0 : i32
        %dma_start3A_29 = arith.constant 0 : i32
        %dma_start3A_30 = tpu.memref_slice %arg6[%arg1, %dma_start3A_28, %dma_start3A_29] : memref<16x102x128xi32, #tpu.memory_space<hbm>> -> memref<1x102x128xi32, #tpu.memory_space<hbm>>
        %dma_start3A_31 = tpu.memref_squeeze %dma_start3A_30 : memref<1x102x128xi32, #tpu.memory_space<hbm>> -> memref<102x128xi32, #tpu.memory_space<hbm>>
        tpu.enqueue_dma source(%dma_start3A_31 : memref<102x128xi32, #tpu.memory_space<hbm>>) target(%dma_start3A_27 : memref<102x128xi32, #tpu.memory_space<vmem>>) target_semaphore(%run_scoped3A : memref<!tpu.dma_semaphore, #tpu.memory_space<semaphore_mem>>)
        %dma_wait3A = arith.constant 0 : i32
        %dma_wait3A_32 = arith.constant 0 : i32
        %dma_wait3A_33 = tpu.memref_slice %arg10[%dma_wait3A, %dma_wait3A_32] : memref<102x128xi32, #tpu.memory_space<vmem>> -> memref<102x128xi32, #tpu.memory_space<vmem>>
        %dma_wait3A_34 = arith.constant 0 : i32
        %dma_wait3A_35 = arith.constant 0 : i32
        %dma_wait3A_36 = tpu.memref_slice %arg6[%arg1, %dma_wait3A_34, %dma_wait3A_35] : memref<16x102x128xi32, #tpu.memory_space<hbm>> -> memref<1x102x128xi32, #tpu.memory_space<hbm>>
        %dma_wait3A_37 = tpu.memref_squeeze %dma_wait3A_36 : memref<1x102x128xi32, #tpu.memory_space<hbm>> -> memref<102x128xi32, #tpu.memory_space<hbm>>
        %dma_wait3A_38 = arith.constant 0 : i32
        %dma_wait3A_39 = arith.constant 0 : i32
        %dma_wait3A_40 = tpu.memref_slice %arg10[%dma_wait3A_38, %dma_wait3A_39] : memref<102x128xi32, #tpu.memory_space<vmem>> -> memref<102x128xi32, #tpu.memory_space<vmem>>
        %dma_wait3A_41 = arith.constant 0 : i32
        %dma_wait3A_42 = arith.constant 0 : i32
        %dma_wait3A_43 = tpu.memref_slice %arg6[%arg1, %dma_wait3A_41, %dma_wait3A_42] : memref<16x102x128xi32, #tpu.memory_space<hbm>> -> memref<1x102x128xi32, #tpu.memory_space<hbm>>
        %dma_wait3A_44 = tpu.memref_squeeze %dma_wait3A_43 : memref<1x102x128xi32, #tpu.memory_space<hbm>> -> memref<102x128xi32, #tpu.memory_space<hbm>>
        tpu.wait_dma2 semaphore(%run_scoped3A : memref<!tpu.dma_semaphore, #tpu.memory_space<semaphore_mem>>) src(%dma_wait3A_44 : memref<102x128xi32, #tpu.memory_space<hbm>>) dst(%dma_wait3A_40 : memref<102x128xi32, #tpu.memory_space<vmem>>)
        tpu.yield
      }) : () -> ()
      %scan3A = arith.constant 0 : i32
      %scan3A_15 = arith.constant 102 : i32
      %scan3A_16 = arith.addi %scan3A, %scan3A_15 : i32
      %scan3A_17 = arith.constant 1 : i32
      scf.for %scan3A_19 = %scan3A to %scan3A_16 step %scan3A_17  : i32 {
        %mul3A_20 = arith.constant 1 : i32
        %mul3A_21 = arith.muli %scan3A_19, %mul3A_20 : i32
        %add3A = arith.constant 0 : i32
        %add3A_22 = arith.addi %add3A, %mul3A_21 : i32
        %dma_start3A = arith.constant 0 : i32
        %dma_start3A_23 = tpu.memref_slice %arg9[%add3A_22, %dma_start3A] : memref<102x128xi32, #tpu.memory_space<vmem>> -> memref<1x128xi32, #tpu.memory_space<vmem>>
        %dma_start3A_24 = tpu.memref_squeeze %dma_start3A_23 : memref<1x128xi32, #tpu.memory_space<vmem>> -> memref<128xi32, #tpu.memory_space<vmem>>
        %dma_start3A_25 = arith.constant 0 : i32
        %dma_start3A_26 = arith.constant 0 : i32
        %dma_start3A_27 = tpu.memref_slice %arg2[%dma_start3A_25, %dma_start3A_26] : memref<10000x128xf32, #tpu.memory_space<hbm>> -> memref<10000x128xf32, #tpu.memory_space<hbm>>
        tpu.enqueue_indirect_dma source(%dma_start3A_27 : memref<10000x128xf32, #tpu.memory_space<hbm>>) target(%arg11 : memref<128x128xf32, #tpu.memory_space<vmem>>) offsets(%dma_start3A_24 : memref<128xi32, #tpu.memory_space<vmem>>) semaphore(%arg13 : memref<!tpu.dma_semaphore, #tpu.memory_space<semaphore_mem>>)
        %dma_wait3A = arith.constant 0 : i32
        %dma_wait3A_28 = tpu.memref_slice %arg9[%add3A_22, %dma_wait3A] : memref<102x128xi32, #tpu.memory_space<vmem>> -> memref<1x128xi32, #tpu.memory_space<vmem>>
        %dma_wait3A_29 = tpu.memref_squeeze %dma_wait3A_28 : memref<1x128xi32, #tpu.memory_space<vmem>> -> memref<128xi32, #tpu.memory_space<vmem>>
        %dma_wait3A_30 = arith.constant 0 : i32
        %dma_wait3A_31 = arith.constant 0 : i32
        %dma_wait3A_32 = tpu.memref_slice %arg2[%dma_wait3A_30, %dma_wait3A_31] : memref<10000x128xf32, #tpu.memory_space<hbm>> -> memref<10000x128xf32, #tpu.memory_space<hbm>>
        tpu.wait_indirect_dma semaphore(%arg13 : memref<!tpu.dma_semaphore, #tpu.memory_space<semaphore_mem>>) src(%dma_wait3A_32 : memref<10000x128xf32, #tpu.memory_space<hbm>>) dst(%arg11 : memref<128x128xf32, #tpu.memory_space<vmem>>)
        "tpu.region"() ({
          %run_scoped3A = tpu.sem_alloc : memref<!tpu.dma_semaphore, #tpu.memory_space<semaphore_mem>>
          %dma_start3A_33 = arith.constant 0 : i32
          %dma_start3A_34 = tpu.memref_slice %arg10[%add3A_22, %dma_start3A_33] : memref<102x128xi32, #tpu.memory_space<vmem>> -> memref<1x128xi32, #tpu.memory_space<vmem>>
          %dma_start3A_35 = tpu.memref_squeeze %dma_start3A_34 : memref<1x128xi32, #tpu.memory_space<vmem>> -> memref<128xi32, #tpu.memory_space<vmem>>
          %dma_start3A_36 = arith.constant 0 : i32
          %dma_start3A_37 = arith.constant 0 : i32
          %dma_start3A_38 = tpu.memref_slice %arg12[%dma_start3A_36, %dma_start3A_37] : memref<10240x128xf32, #tpu.memory_space<vmem_shared>> -> memref<10240x128xf32, #tpu.memory_space<vmem_shared>>
          tpu.enqueue_indirect_dma source(%arg11 : memref<128x128xf32, #tpu.memory_space<vmem>>) target(%dma_start3A_38 : memref<10240x128xf32, #tpu.memory_space<vmem_shared>>) offsets(%dma_start3A_35 : memref<128xi32, #tpu.memory_space<vmem>>) semaphore(%run_scoped3A : memref<!tpu.dma_semaphore, #tpu.memory_space<semaphore_mem>>) {add = true}
          %dma_wait3A_39 = arith.constant 0 : i32
          %dma_wait3A_40 = tpu.memref_slice %arg10[%add3A_22, %dma_wait3A_39] : memref<102x128xi32, #tpu.memory_space<vmem>> -> memref<1x128xi32, #tpu.memory_space<vmem>>
          %dma_wait3A_41 = tpu.memref_squeeze %dma_wait3A_40 : memref<1x128xi32, #tpu.memory_space<vmem>> -> memref<128xi32, #tpu.memory_space<vmem>>
          %dma_wait3A_42 = arith.constant 0 : i32
          %dma_wait3A_43 = arith.constant 0 : i32
          %dma_wait3A_44 = tpu.memref_slice %arg12[%dma_wait3A_42, %dma_wait3A_43] : memref<10240x128xf32, #tpu.memory_space<vmem_shared>> -> memref<10240x128xf32, #tpu.memory_space<vmem_shared>>
          tpu.wait_indirect_dma semaphore(%run_scoped3A : memref<!tpu.dma_semaphore, #tpu.memory_space<semaphore_mem>>) src(%arg11 : memref<128x128xf32, #tpu.memory_space<vmem>>) dst(%dma_wait3A_44 : memref<10240x128xf32, #tpu.memory_space<vmem_shared>>)
          tpu.yield
        }) : () -> ()
      }
      %scan3A_18 = arith.constant 102 : i32
    } else {
    }
    %barrier3A_10 = arith.constant 0 : index
    tpu.barrier barrier_id(%barrier3A_10)
    %mul3A_11 = arith.constant 640 : i32
    %mul3A_12 = arith.muli %arg1, %mul3A_11 : i32
    %mul3A_13 = arith.constant 640 : i32
    %mul3A_14 = arith.muli %arg1, %mul3A_13 : i32
    "tpu.region"() ({
      %run_scoped3A = tpu.sem_alloc : memref<!tpu.dma_semaphore, #tpu.memory_space<semaphore_mem>>
      %dma_start3A = arith.constant 0 : i32
      %dma_start3A_15 = tpu.memref_slice %arg8[%arg0, %mul3A_14, %dma_start3A] : memref<2x10240x128xf32, #tpu.memory_space<hbm>> -> memref<1x640x128xf32, #tpu.memory_space<hbm>>
      %dma_start3A_16 = tpu.memref_squeeze %dma_start3A_15 : memref<1x640x128xf32, #tpu.memory_space<hbm>> -> memref<640x128xf32, #tpu.memory_space<hbm>>
      %dma_start3A_17 = arith.constant 0 : i32
      %dma_start3A_18 = tpu.memref_slice %arg12[%mul3A_12, %dma_start3A_17] : memref<10240x128xf32, #tpu.memory_space<vmem_shared>> -> memref<640x128xf32, #tpu.memory_space<vmem_shared>>
      tpu.enqueue_dma source(%dma_start3A_18 : memref<640x128xf32, #tpu.memory_space<vmem_shared>>) target(%dma_start3A_16 : memref<640x128xf32, #tpu.memory_space<hbm>>) target_semaphore(%run_scoped3A : memref<!tpu.dma_semaphore, #tpu.memory_space<semaphore_mem>>)
      %dma_wait3A = arith.constant 0 : i32
      %dma_wait3A_19 = tpu.memref_slice %arg8[%arg0, %mul3A_14, %dma_wait3A] : memref<2x10240x128xf32, #tpu.memory_space<hbm>> -> memref<1x640x128xf32, #tpu.memory_space<hbm>>
      %dma_wait3A_20 = tpu.memref_squeeze %dma_wait3A_19 : memref<1x640x128xf32, #tpu.memory_space<hbm>> -> memref<640x128xf32, #tpu.memory_space<hbm>>
      %dma_wait3A_21 = arith.constant 0 : i32
      %dma_wait3A_22 = tpu.memref_slice %arg12[%mul3A_12, %dma_wait3A_21] : memref<10240x128xf32, #tpu.memory_space<vmem_shared>> -> memref<640x128xf32, #tpu.memory_space<vmem_shared>>
      tpu.wait_dma2 semaphore(%run_scoped3A : memref<!tpu.dma_semaphore, #tpu.memory_space<semaphore_mem>>) src(%dma_wait3A_22 : memref<640x128xf32, #tpu.memory_space<vmem_shared>>) dst(%dma_wait3A_20 : memref<640x128xf32, #tpu.memory_space<hbm>>)
      tpu.yield
    }) : () -> ()
    return
  }
}

module attributes {stable_mosaic.version = 14 : i64} {
  func.func @_mm1_body(%arg0: memref<10000x128xf32, #tpu.memory_space<vmem>>, %arg1: memref<128x128xf32, #tpu.memory_space<vmem>>, %arg2: memref<32x1x2560xf32, #tpu.memory_space<vmem>>, %arg3: memref<10000x128xf32, #tpu.memory_space<vmem>>) attributes {dimension_semantics = [], scalar_prefetch = 0 : i64, scratch_operands = 0 : i64, tpu.core_type = #tpu.core_type<tc>} {
    %get3A = arith.constant 0 : index
    %get3A_0 = arith.constant 0 : index
    %get3A_1 = arith.constant 0 : index
    %get3A_2 = vector.load %arg2[%get3A, %get3A_0, %get3A_1] : memref<32x1x2560xf32, #tpu.memory_space<vmem>>, vector<32x1x2560xf32>
    %reshape3A = vector.shape_cast %get3A_2 : vector<32x1x2560xf32> to vector<2x4x10240xf32>
    %slice3A = vector.extract_strided_slice %reshape3A {offsets = [0, 0, 0], sizes = [1, 1, 10240], strides = [1, 1, 1]} : vector<2x4x10240xf32> to vector<1x1x10240xf32>
    %squeeze3A = vector.shape_cast %slice3A : vector<1x1x10240xf32> to vector<10240xf32>
    %slice3A_3 = vector.extract_strided_slice %reshape3A {offsets = [1, 0, 0], sizes = [1, 1, 10240], strides = [1, 1, 1]} : vector<2x4x10240xf32> to vector<1x1x10240xf32>
    %squeeze3A_4 = vector.shape_cast %slice3A_3 : vector<1x1x10240xf32> to vector<10240xf32>
    %add3A = arith.addf %squeeze3A, %squeeze3A_4 : vector<10240xf32>
    %slice3A_5 = vector.extract_strided_slice %add3A {offsets = [0], sizes = [10000], strides = [1]} : vector<10240xf32> to vector<10000xf32>
    %max3A = arith.constant 1.000000e+00 : f32
    %max3A_6 = vector.broadcast %max3A : f32 to vector<10000xf32>
    %max3A_7 = arith.maximumf %slice3A_5, %max3A_6 : vector<10000xf32>
    %rsqrt3A = math.rsqrt %max3A_7 : vector<10000xf32>
    %get3A_8 = arith.constant 0 : index
    %get3A_9 = arith.constant 0 : index
    %get3A_10 = vector.load %arg0[%get3A_8, %get3A_9] : memref<10000x128xf32, #tpu.memory_space<vmem>>, vector<10000x128xf32>
    %broadcast_in_dim3A = vector.shape_cast %rsqrt3A : vector<10000xf32> to vector<10000x1xf32>
    %mul3A = vector.broadcast %broadcast_in_dim3A : vector<10000x1xf32> to vector<10000x128xf32>
    %mul3A_11 = arith.mulf %get3A_10, %mul3A : vector<10000x128xf32>
    %get3A_12 = arith.constant 0 : index
    %get3A_13 = arith.constant 0 : index
    %get3A_14 = vector.load %arg1[%get3A_12, %get3A_13] : memref<128x128xf32, #tpu.memory_space<vmem>>, vector<128x128xf32>
    %dot_general3A = arith.constant dense<0.000000e+00> : vector<10000x128xf32>
    %dot_general3A_15 = tpu.matmul %mul3A_11, %get3A_14, %dot_general3A {dimension_numbers = #tpu.dot_dimension_numbers<[1], [0], [0], [1], [0, 0, 1, 1], [], []>, transpose_lhs_hint = false} : vector<10000x128xf32>, vector<128x128xf32>, vector<10000x128xf32> -> vector<10000x128xf32>
    %swap3A = arith.constant 0 : index
    %swap3A_16 = arith.constant 0 : index
    %swap3A_17 = vector.load %arg3[%swap3A, %swap3A_16] : memref<10000x128xf32, #tpu.memory_space<vmem>>, vector<10000x128xf32>
    tpu.vector_store %arg3[%swap3A, %swap3A_16], %dot_general3A_15 {strides = array<i32>} : memref<10000x128xf32, #tpu.memory_space<vmem>>, vector<10000x128xf32>,
    return
  }
}

module attributes {stable_mosaic.version = 14 : i64} {
  func.func @_fused2_body(%arg0: memref<2x10240x128xf32, #tpu.memory_space<vmem>>, %arg1: memref<32x1x2560xf32, #tpu.memory_space<vmem>>, %arg2: memref<128xf32, #tpu.memory_space<vmem>>, %arg3: memref<128xf32, #tpu.memory_space<vmem>>, %arg4: memref<128xf32, #tpu.memory_space<vmem>>, %arg5: memref<10000x128xf32, #tpu.memory_space<vmem>>, %arg6: memref<128x128xf32, #tpu.memory_space<vmem>>, %arg7: memref<10000x128xf32, #tpu.memory_space<vmem>>) attributes {dimension_semantics = [], scalar_prefetch = 0 : i64, scratch_operands = 0 : i64, tpu.core_type = #tpu.core_type<tc>} {
    %get3A = arith.constant 0 : index
    %get3A_0 = arith.constant 0 : index
    %get3A_1 = arith.constant 0 : index
    %get3A_2 = vector.load %arg0[%get3A, %get3A_0, %get3A_1] : memref<2x10240x128xf32, #tpu.memory_space<vmem>>, vector<1x10000x128xf32>
    %get3A_3 = vector.shape_cast %get3A_2 : vector<1x10000x128xf32> to vector<10000x128xf32>
    %get3A_4 = arith.constant 1 : index
    %get3A_5 = arith.constant 0 : index
    %get3A_6 = arith.constant 0 : index
    %get3A_7 = vector.load %arg0[%get3A_4, %get3A_5, %get3A_6] : memref<2x10240x128xf32, #tpu.memory_space<vmem>>, vector<1x10000x128xf32>
    %get3A_8 = vector.shape_cast %get3A_7 : vector<1x10000x128xf32> to vector<10000x128xf32>
    %add3A = arith.addf %get3A_3, %get3A_8 : vector<10000x128xf32>
    %get3A_9 = arith.constant 0 : index
    %get3A_10 = arith.constant 0 : index
    %get3A_11 = arith.constant 0 : index
    %get3A_12 = vector.load %arg1[%get3A_9, %get3A_10, %get3A_11] : memref<32x1x2560xf32, #tpu.memory_space<vmem>>, vector<32x1x2560xf32>
    %reshape3A = vector.shape_cast %get3A_12 : vector<32x1x2560xf32> to vector<2x4x10240xf32>
    %slice3A = vector.extract_strided_slice %reshape3A {offsets = [0, 1, 0], sizes = [1, 1, 10240], strides = [1, 1, 1]} : vector<2x4x10240xf32> to vector<1x1x10240xf32>
    %squeeze3A = vector.shape_cast %slice3A : vector<1x1x10240xf32> to vector<10240xf32>
    %slice3A_13 = vector.extract_strided_slice %reshape3A {offsets = [1, 1, 0], sizes = [1, 1, 10240], strides = [1, 1, 1]} : vector<2x4x10240xf32> to vector<1x1x10240xf32>
    %squeeze3A_14 = vector.shape_cast %slice3A_13 : vector<1x1x10240xf32> to vector<10240xf32>
    %add3A_15 = arith.addf %squeeze3A, %squeeze3A_14 : vector<10240xf32>
    %slice3A_16 = vector.extract_strided_slice %add3A_15 {offsets = [0], sizes = [10000], strides = [1]} : vector<10240xf32> to vector<10000xf32>
    %max3A = arith.constant 1.000000e+00 : f32
    %max3A_17 = vector.broadcast %max3A : f32 to vector<10000xf32>
    %max3A_18 = arith.maximumf %slice3A_16, %max3A_17 : vector<10000xf32>
    %rsqrt3A = math.rsqrt %max3A_18 : vector<10000xf32>
    %broadcast_in_dim3A = vector.shape_cast %rsqrt3A : vector<10000xf32> to vector<10000x1xf32>
    %mul3A = vector.broadcast %broadcast_in_dim3A : vector<10000x1xf32> to vector<10000x128xf32>
    %mul3A_19 = arith.mulf %add3A, %mul3A : vector<10000x128xf32>
    %get3A_20 = arith.constant 0 : index
    %get3A_21 = vector.load %arg2[%get3A_20] : memref<128xf32, #tpu.memory_space<vmem>>, vector<128xf32>
    %broadcast_in_dim3A_22 = vector.shape_cast %get3A_21 : vector<128xf32> to vector<1x128xf32>
    %add3A_23 = vector.broadcast %broadcast_in_dim3A_22 : vector<1x128xf32> to vector<10000x128xf32>
    %add3A_24 = arith.addf %mul3A_19, %add3A_23 : vector<10000x128xf32>
    %get3A_25 = arith.constant 0 : index
    %get3A_26 = vector.load %arg3[%get3A_25] : memref<128xf32, #tpu.memory_space<vmem>>, vector<128xf32>
    %get3A_27 = arith.constant 0 : index
    %get3A_28 = vector.load %arg4[%get3A_27] : memref<128xf32, #tpu.memory_space<vmem>>, vector<128xf32>
    %reduce_sum3A = arith.constant dense<0.000000e+00> : vector<128xf32>
    %reduce_sum3A_29 = vector.multi_reduction <add>, %add3A_24, %reduce_sum3A [0] : vector<10000x128xf32> to vector<128xf32>
    %div3A = arith.constant 1.000000e+04 : f32
    %div3A_30 = vector.broadcast %div3A : f32 to vector<128xf32>
    %div3A_31 = arith.divf %reduce_sum3A_29, %div3A_30 : vector<128xf32>
    %broadcast_in_dim3A_32 = vector.shape_cast %div3A_31 : vector<128xf32> to vector<1x128xf32>
    %sub3A = vector.broadcast %broadcast_in_dim3A_32 : vector<1x128xf32> to vector<10000x128xf32>
    %sub3A_33 = arith.subf %add3A_24, %sub3A : vector<10000x128xf32>
    %integer_pow3A = arith.mulf %sub3A_33, %sub3A_33 : vector<10000x128xf32>
    %reduce_sum3A_34 = arith.constant dense<0.000000e+00> : vector<128xf32>
    %reduce_sum3A_35 = vector.multi_reduction <add>, %integer_pow3A, %reduce_sum3A_34 [0] : vector<10000x128xf32> to vector<128xf32>
    %div3A_36 = arith.constant 1.000000e+04 : f32
    %div3A_37 = vector.broadcast %div3A_36 : f32 to vector<128xf32>
    %div3A_38 = arith.divf %reduce_sum3A_35, %div3A_37 : vector<128xf32>
    %broadcast_in_dim3A_39 = vector.shape_cast %get3A_26 : vector<128xf32> to vector<1x128xf32>
    %broadcast_in_dim3A_40 = vector.shape_cast %div3A_31 : vector<128xf32> to vector<1x128xf32>
    %sub3A_41 = vector.broadcast %broadcast_in_dim3A_40 : vector<1x128xf32> to vector<10000x128xf32>
    %sub3A_42 = arith.subf %add3A_24, %sub3A_41 : vector<10000x128xf32>
    %mul3A_43 = vector.broadcast %broadcast_in_dim3A_39 : vector<1x128xf32> to vector<10000x128xf32>
    %mul3A_44 = arith.mulf %mul3A_43, %sub3A_42 : vector<10000x128xf32>
    %add3A_45 = arith.constant 9.99999974E-6 : f32
    %add3A_46 = vector.broadcast %add3A_45 : f32 to vector<128xf32>
    %add3A_47 = arith.addf %div3A_38, %add3A_46 : vector<128xf32>
    %rsqrt3A_48 = math.rsqrt %add3A_47 : vector<128xf32>
    %broadcast_in_dim3A_49 = vector.shape_cast %rsqrt3A_48 : vector<128xf32> to vector<1x128xf32>
    %mul3A_50 = vector.broadcast %broadcast_in_dim3A_49 : vector<1x128xf32> to vector<10000x128xf32>
    %mul3A_51 = arith.mulf %mul3A_44, %mul3A_50 : vector<10000x128xf32>
    %broadcast_in_dim3A_52 = vector.shape_cast %get3A_28 : vector<128xf32> to vector<1x128xf32>
    %add3A_53 = vector.broadcast %broadcast_in_dim3A_52 : vector<1x128xf32> to vector<10000x128xf32>
    %add3A_54 = arith.addf %mul3A_51, %add3A_53 : vector<10000x128xf32>
    %max3A_55 = arith.constant 0.000000e+00 : f32
    %max3A_56 = vector.broadcast %max3A_55 : f32 to vector<10000x128xf32>
    %max3A_57 = arith.maximumf %add3A_54, %max3A_56 : vector<10000x128xf32>
    %get3A_58 = arith.constant 0 : index
    %get3A_59 = arith.constant 0 : index
    %get3A_60 = vector.load %arg5[%get3A_58, %get3A_59] : memref<10000x128xf32, #tpu.memory_space<vmem>>, vector<10000x128xf32>
    %mul3A_61 = arith.mulf %max3A_57, %get3A_60 : vector<10000x128xf32>
    %get3A_62 = arith.constant 0 : index
    %get3A_63 = arith.constant 0 : index
    %get3A_64 = arith.constant 0 : index
    %get3A_65 = vector.load %arg1[%get3A_62, %get3A_63, %get3A_64] : memref<32x1x2560xf32, #tpu.memory_space<vmem>>, vector<32x1x2560xf32>
    %reshape3A_66 = vector.shape_cast %get3A_65 : vector<32x1x2560xf32> to vector<2x4x10240xf32>
    %slice3A_67 = vector.extract_strided_slice %reshape3A_66 {offsets = [0, 2, 0], sizes = [1, 1, 10240], strides = [1, 1, 1]} : vector<2x4x10240xf32> to vector<1x1x10240xf32>
    %squeeze3A_68 = vector.shape_cast %slice3A_67 : vector<1x1x10240xf32> to vector<10240xf32>
    %slice3A_69 = vector.extract_strided_slice %reshape3A_66 {offsets = [1, 2, 0], sizes = [1, 1, 10240], strides = [1, 1, 1]} : vector<2x4x10240xf32> to vector<1x1x10240xf32>
    %squeeze3A_70 = vector.shape_cast %slice3A_69 : vector<1x1x10240xf32> to vector<10240xf32>
    %add3A_71 = arith.addf %squeeze3A_68, %squeeze3A_70 : vector<10240xf32>
    %slice3A_72 = vector.extract_strided_slice %add3A_71 {offsets = [0], sizes = [10000], strides = [1]} : vector<10240xf32> to vector<10000xf32>
    %max3A_73 = arith.constant 1.000000e+00 : f32
    %max3A_74 = vector.broadcast %max3A_73 : f32 to vector<10000xf32>
    %max3A_75 = arith.maximumf %slice3A_72, %max3A_74 : vector<10000xf32>
    %rsqrt3A_76 = math.rsqrt %max3A_75 : vector<10000xf32>
    %broadcast_in_dim3A_77 = vector.shape_cast %rsqrt3A_76 : vector<10000xf32> to vector<10000x1xf32>
    %mul3A_78 = vector.broadcast %broadcast_in_dim3A_77 : vector<10000x1xf32> to vector<10000x128xf32>
    %mul3A_79 = arith.mulf %mul3A_61, %mul3A_78 : vector<10000x128xf32>
    %get3A_80 = arith.constant 0 : index
    %get3A_81 = arith.constant 0 : index
    %get3A_82 = vector.load %arg6[%get3A_80, %get3A_81] : memref<128x128xf32, #tpu.memory_space<vmem>>, vector<128x128xf32>
    %dot_general3A = arith.constant dense<0.000000e+00> : vector<10000x128xf32>
    %dot_general3A_83 = tpu.matmul %mul3A_79, %get3A_82, %dot_general3A {dimension_numbers = #tpu.dot_dimension_numbers<[1], [0], [0], [1], [0, 0, 1, 1], [], []>, transpose_lhs_hint = false} : vector<10000x128xf32>, vector<128x128xf32>, vector<10000x128xf32> -> vector<10000x128xf32>
    %swap3A = arith.constant 0 : index
    %swap3A_84 = arith.constant 0 : index
    %swap3A_85 = vector.load %arg7[%swap3A, %swap3A_84] : memref<10000x128xf32, #tpu.memory_space<vmem>>, vector<10000x128xf32>
    tpu.vector_store %arg7[%swap3A, %swap3A_84], %dot_general3A_83 {strides = array<i32>} : memref<10000x128xf32, #tpu.memory_space<vmem>>, vector<10000x128xf32>,
    return
  }
}

module attributes {stable_mosaic.version = 14 : i64} {
  func.func @_fused3_body(%arg0: memref<2x10240x128xf32, #tpu.memory_space<vmem>>, %arg1: memref<32x1x2560xf32, #tpu.memory_space<vmem>>, %arg2: memref<128xf32, #tpu.memory_space<vmem>>, %arg3: memref<128xf32, #tpu.memory_space<vmem>>, %arg4: memref<128xf32, #tpu.memory_space<vmem>>, %arg5: memref<10000x128xf32, #tpu.memory_space<vmem>>) attributes {dimension_semantics = [], scalar_prefetch = 0 : i64, scratch_operands = 0 : i64, tpu.core_type = #tpu.core_type<tc>} {
    %get3A = arith.constant 0 : index
    %get3A_0 = arith.constant 0 : index
    %get3A_1 = arith.constant 0 : index
    %get3A_2 = vector.load %arg0[%get3A, %get3A_0, %get3A_1] : memref<2x10240x128xf32, #tpu.memory_space<vmem>>, vector<1x10000x128xf32>
    %get3A_3 = vector.shape_cast %get3A_2 : vector<1x10000x128xf32> to vector<10000x128xf32>
    %get3A_4 = arith.constant 1 : index
    %get3A_5 = arith.constant 0 : index
    %get3A_6 = arith.constant 0 : index
    %get3A_7 = vector.load %arg0[%get3A_4, %get3A_5, %get3A_6] : memref<2x10240x128xf32, #tpu.memory_space<vmem>>, vector<1x10000x128xf32>
    %get3A_8 = vector.shape_cast %get3A_7 : vector<1x10000x128xf32> to vector<10000x128xf32>
    %add3A = arith.addf %get3A_3, %get3A_8 : vector<10000x128xf32>
    %get3A_9 = arith.constant 0 : index
    %get3A_10 = arith.constant 0 : index
    %get3A_11 = arith.constant 0 : index
    %get3A_12 = vector.load %arg1[%get3A_9, %get3A_10, %get3A_11] : memref<32x1x2560xf32, #tpu.memory_space<vmem>>, vector<32x1x2560xf32>
    %reshape3A = vector.shape_cast %get3A_12 : vector<32x1x2560xf32> to vector<2x4x10240xf32>
    %slice3A = vector.extract_strided_slice %reshape3A {offsets = [0, 3, 0], sizes = [1, 1, 10240], strides = [1, 1, 1]} : vector<2x4x10240xf32> to vector<1x1x10240xf32>
    %squeeze3A = vector.shape_cast %slice3A : vector<1x1x10240xf32> to vector<10240xf32>
    %slice3A_13 = vector.extract_strided_slice %reshape3A {offsets = [1, 3, 0], sizes = [1, 1, 10240], strides = [1, 1, 1]} : vector<2x4x10240xf32> to vector<1x1x10240xf32>
    %squeeze3A_14 = vector.shape_cast %slice3A_13 : vector<1x1x10240xf32> to vector<10240xf32>
    %add3A_15 = arith.addf %squeeze3A, %squeeze3A_14 : vector<10240xf32>
    %slice3A_16 = vector.extract_strided_slice %add3A_15 {offsets = [0], sizes = [10000], strides = [1]} : vector<10240xf32> to vector<10000xf32>
    %max3A = arith.constant 1.000000e+00 : f32
    %max3A_17 = vector.broadcast %max3A : f32 to vector<10000xf32>
    %max3A_18 = arith.maximumf %slice3A_16, %max3A_17 : vector<10000xf32>
    %rsqrt3A = math.rsqrt %max3A_18 : vector<10000xf32>
    %broadcast_in_dim3A = vector.shape_cast %rsqrt3A : vector<10000xf32> to vector<10000x1xf32>
    %mul3A = vector.broadcast %broadcast_in_dim3A : vector<10000x1xf32> to vector<10000x128xf32>
    %mul3A_19 = arith.mulf %add3A, %mul3A : vector<10000x128xf32>
    %get3A_20 = arith.constant 0 : index
    %get3A_21 = vector.load %arg2[%get3A_20] : memref<128xf32, #tpu.memory_space<vmem>>, vector<128xf32>
    %broadcast_in_dim3A_22 = vector.shape_cast %get3A_21 : vector<128xf32> to vector<1x128xf32>
    %add3A_23 = vector.broadcast %broadcast_in_dim3A_22 : vector<1x128xf32> to vector<10000x128xf32>
    %add3A_24 = arith.addf %mul3A_19, %add3A_23 : vector<10000x128xf32>
    %get3A_25 = arith.constant 0 : index
    %get3A_26 = vector.load %arg3[%get3A_25] : memref<128xf32, #tpu.memory_space<vmem>>, vector<128xf32>
    %get3A_27 = arith.constant 0 : index
    %get3A_28 = vector.load %arg4[%get3A_27] : memref<128xf32, #tpu.memory_space<vmem>>, vector<128xf32>
    %reduce_sum3A = arith.constant dense<0.000000e+00> : vector<128xf32>
    %reduce_sum3A_29 = vector.multi_reduction <add>, %add3A_24, %reduce_sum3A [0] : vector<10000x128xf32> to vector<128xf32>
    %div3A = arith.constant 1.000000e+04 : f32
    %div3A_30 = vector.broadcast %div3A : f32 to vector<128xf32>
    %div3A_31 = arith.divf %reduce_sum3A_29, %div3A_30 : vector<128xf32>
    %broadcast_in_dim3A_32 = vector.shape_cast %div3A_31 : vector<128xf32> to vector<1x128xf32>
    %sub3A = vector.broadcast %broadcast_in_dim3A_32 : vector<1x128xf32> to vector<10000x128xf32>
    %sub3A_33 = arith.subf %add3A_24, %sub3A : vector<10000x128xf32>
    %integer_pow3A = arith.mulf %sub3A_33, %sub3A_33 : vector<10000x128xf32>
    %reduce_sum3A_34 = arith.constant dense<0.000000e+00> : vector<128xf32>
    %reduce_sum3A_35 = vector.multi_reduction <add>, %integer_pow3A, %reduce_sum3A_34 [0] : vector<10000x128xf32> to vector<128xf32>
    %div3A_36 = arith.constant 1.000000e+04 : f32
    %div3A_37 = vector.broadcast %div3A_36 : f32 to vector<128xf32>
    %div3A_38 = arith.divf %reduce_sum3A_35, %div3A_37 : vector<128xf32>
    %broadcast_in_dim3A_39 = vector.shape_cast %get3A_26 : vector<128xf32> to vector<1x128xf32>
    %broadcast_in_dim3A_40 = vector.shape_cast %div3A_31 : vector<128xf32> to vector<1x128xf32>
    %sub3A_41 = vector.broadcast %broadcast_in_dim3A_40 : vector<1x128xf32> to vector<10000x128xf32>
    %sub3A_42 = arith.subf %add3A_24, %sub3A_41 : vector<10000x128xf32>
    %mul3A_43 = vector.broadcast %broadcast_in_dim3A_39 : vector<1x128xf32> to vector<10000x128xf32>
    %mul3A_44 = arith.mulf %mul3A_43, %sub3A_42 : vector<10000x128xf32>
    %add3A_45 = arith.constant 9.99999974E-6 : f32
    %add3A_46 = vector.broadcast %add3A_45 : f32 to vector<128xf32>
    %add3A_47 = arith.addf %div3A_38, %add3A_46 : vector<128xf32>
    %rsqrt3A_48 = math.rsqrt %add3A_47 : vector<128xf32>
    %broadcast_in_dim3A_49 = vector.shape_cast %rsqrt3A_48 : vector<128xf32> to vector<1x128xf32>
    %mul3A_50 = vector.broadcast %broadcast_in_dim3A_49 : vector<1x128xf32> to vector<10000x128xf32>
    %mul3A_51 = arith.mulf %mul3A_44, %mul3A_50 : vector<10000x128xf32>
    %broadcast_in_dim3A_52 = vector.shape_cast %get3A_28 : vector<128xf32> to vector<1x128xf32>
    %add3A_53 = vector.broadcast %broadcast_in_dim3A_52 : vector<1x128xf32> to vector<10000x128xf32>
    %add3A_54 = arith.addf %mul3A_51, %add3A_53 : vector<10000x128xf32>
    %max3A_55 = arith.constant 0.000000e+00 : f32
    %max3A_56 = vector.broadcast %max3A_55 : f32 to vector<10000x128xf32>
    %max3A_57 = arith.maximumf %add3A_54, %max3A_56 : vector<10000x128xf32>
    %swap3A = arith.constant 0 : index
    %swap3A_58 = arith.constant 0 : index
    %swap3A_59 = vector.load %arg5[%swap3A, %swap3A_58] : memref<10000x128xf32, #tpu.memory_space<vmem>>, vector<10000x128xf32>
    tpu.vector_store %arg5[%swap3A, %swap3A_58], %max3A_57 {strides = array<i32>} : memref<10000x128xf32, #tpu.memory_space<vmem>>, vector<10000x128xf32>,
    return
  }
}

</mosaic_0001>

<sc_bundles>
// kernel: kernel.11.cloned.1.call-start
scs
__scs_entry_jumppad:
0x0: {  	(pc) =	sbr.rel $0x88, $3  }
0x1: {  	(tag) =	ssettag $0x0;
	lr =	simm.s32 $0x1  }
0x2: {  	[smem:$0x3F96] =	sst lr;
	_ =	strace $0xD0000000  }
0x3: {  	_ = 	snop  }
0x4: {  	_ = 	snop  }
0x5: {  	_ = 	snop  }
0x6: {  	_ = 	snop  }
0x7: {  	_ = 	snop  }
__scs_overlays_trampoline_lowered:
0x8: {  	[smem:$0x3FA5] =	sst s0  }
0x9: {  	[smem:$0x3FA6] =	sst s1  }
0xa: {  	[smem:$0x3FA7] =	sst s2  }
0xb: {  	[smem:$0x3FA8] =	sst s3  }
0xc: {  	[smem:$0x3FA9] =	sst s4  }
0xd: {  	[smem:$0x3FAA] =	sst s5  }
0xe: {  	[smem:$0x3FAB] =	sst s6  }
0xf: {  	[smem:$0x3FAC] =	sst s7  }
0x10: {  	[smem:$0x3FAD] =	sst s8  }
0x11: {  	[smem:$0x3FAE] =	sst s9;
	s0 =	simm.s32 @!p0 $0x0  }
0x12: {  	s1 =	sld [smem:$0x3F94];
	s0 =	simm.s32 @p0 $0x1  }
0x13: {  	[smem:$0x3FAF] =	sst s0;
	s0 =	simm.s32 @!p1 $0x0  }
0x14: {  	s2 =	sld [smem:$0x3F93];
	s0 =	simm.s32 @p1 $0x1  }
0x15: {  	[smem:$0x3FB0] =	sst s0;
	s0 =	simm.s32 @!p2 $0x0  }
0x16: {  	s3 =	sld [smem:$0x3FDB];
	s0 =	simm.s32 @p2 $0x1  }
0x17: {  	s4 =	simm.s32 $0x1BF5;
	[smem:$0x3FB2] =	sst s0  }
0x18: {  	s0 =	sld [smem:$0x3F95];
	_ =	swait.ge [sflag:s4], $0x0  }
0x19: {  	s7 =	sld [smem:$0x3F96]  }
0x1a: {  	s8 =	sadd.s32 $0xFFFFE003, lr  }
0x1b: {  	s9 =	sadd.s32 $0xFFFFFEF7, lr;
	s5 =	simm.s32 $0xFFFFFFFF;
	p2 =	slt.u32 s8, $0xFFFFF086  }
0x1c: {  	p1 =	slt.u32 s9, $0xF7A;
	s5 =	simm.s32 @!p2 $0x0  }
0x1d: {  	s5 =	simm.s32 @p1 $0x1;
	p0 =	seq.s32 s7, s2  }
0x1e: {  	s7 =	smul.u32 @!p0 $0xF7A, s2;
	p2 =	seq.s32 @!p0 s5, $0x0  }
0x1f: {  	s9 =	smul.u32 $0xF7A, s1;
	s8 =	simm.s32 @!p0 $0x1BF5;
	p2 =	por !p2, p0  }
0x20: {  	[sflag:s8] =	ssyncset.s32 @!p0 $0xFFFFF086;
	s6 =	sadd.s32 @!p0 s3, s7;
	s7 =	simm.s32 @!p0 $0x108  }
0x21: {  	s3 =	sadd.s32 s3, s9;
	s6 =	sadd.s32 @!p0 $0x88, s6;
	s7 =	simm.s32 @p2 $0x1082  }
0x22: {  	[simem:s7], [sflag:s8] =	dma.local @!p0 [hbm:s6], $0xF7A  }
0x23: {  	s9 =	sor.u32 $0xD0000000, s2;
	s6 =	simm.s32 $0x108;
	_ =	swait.ge @!p0 [sflag:s8], $0x0  }
0x24: {  	s3 =	sadd.s32 $0x88, s3;
	s6 =	simm.s32 @!p1 $0x1082;
	[sflag:s4] =	ssyncset.s32 $0xFFFFF086  }
0x25: {  	[simem:s6], [sflag:s4] =	dma.local [hbm:s3], $0xF7A  }
0x26: {  	[smem:$0x3F96] =	sst s1;
	(tag) =	ssettag s2;
	_ =	strace s9  }
0x27: {  	s1 =	sld [smem:$0x3FA6]  }
0x28: {  	s2 =	sld [smem:$0x3FA7]  }
0x29: {  	s4 =	sld [smem:$0x3FA9]  }
0x2a: {  	p0 =	seq.s32 s5, $0x0;
	s5 =	sld [smem:$0x3FAA]  }
0x2b: {  	s6 =	sld [smem:$0x3FAB]  }
0x2c: {  	s7 =	sld [smem:$0x3FAC]  }
0x2d: {  	s3 =	simm.s32 $0x108;
	s8 =	sld [smem:$0x3FAD]  }
0x2e: {  	s3 =	simm.s32 @!p0 $0x1082;
	s9 =	sld [smem:$0x3FAE]  }
0x2f: {  	lr =	sadd.s32 s0, s3;
	s0 =	sld [smem:$0x3FA5]  }
0x30: {  	s3 =	sld [smem:$0x3FA8]  }
0x31: {  	[smem:$0x3FB1] =	sst s10  }
0x32: {  	s10 =	sld [smem:$0x3FAF];
	_ =	sdelay $0x3  }
0x33: {  	p0 =	seq.s32 s10, $0x1;
	s10 =	sld [smem:$0x3FB1];
	_ =	sdelay $0x3  }
0x34: {  	[smem:$0x3FB1] =	sst s10  }
0x35: {  	s10 =	sld [smem:$0x3FB0];
	_ =	sdelay $0x3  }
0x36: {  	p1 =	seq.s32 s10, $0x1;
	s10 =	sld [smem:$0x3FB1];
	_ =	sdelay $0x3  }
0x37: {  	[smem:$0x3FB1] =	sst s10  }
0x38: {  	s10 =	sld [smem:$0x3FB2]  }
0x39: {  	_ = 	snop;
	(pc) =	sbr.ind lr, $3  }
0x3a: {  	_ = 	snop  }
0x3b: {  	_ = 	snop  }
0x3c: {  	p2 =	seq.s32 s10, $0x1;
	s10 =	sld [smem:$0x3FB1]  }
0x3d: {  	_ =	shalt  }
0x3e: {  	_ =	shalt  }
0x3f: {  	_ =	shalt  }
0x40: {  	_ =	shalt  }
0x41: {  	_ =	shalt  }
0x42: {  	_ =	shalt  }
0x43: {  	_ =	shalt  }
0x44: {  	_ =	shalt  }
0x45: {  	_ =	shalt  }
0x46: {  	_ =	shalt  }
0x47: {  	_ =	shalt  }
0x48: {  	_ =	shalt  }
0x49: {  	_ =	shalt  }
0x4a: {  	_ =	shalt  }
0x4b: {  	_ =	shalt  }
0x4c: {  	_ =	shalt  }
0x4d: {  	_ =	shalt  }
0x4e: {  	_ =	shalt  }
0x4f: {  	_ =	shalt  }
0x50: {  	_ =	shalt  }
0x51: {  	_ =	shalt  }
0x52: {  	_ =	shalt  }
0x53: {  	_ =	shalt  }
0x54: {  	_ =	shalt  }
0x55: {  	_ =	shalt  }
0x56: {  	_ =	shalt  }
0x57: {  	_ =	shalt  }
0x58: {  	_ =	shalt  }
0x59: {  	_ =	shalt  }
0x5a: {  	_ =	shalt  }
0x5b: {  	_ =	shalt  }
0x5c: {  	_ =	shalt  }
0x5d: {  	_ =	shalt  }
0x5e: {  	_ =	shalt  }
0x5f: {  	_ =	shalt  }
0x60: {  	_ =	shalt  }
0x61: {  	_ =	shalt  }
0x62: {  	_ =	shalt  }
0x63: {  	_ =	shalt  }
0x64: {  	_ =	shalt  }
0x65: {  	_ =	shalt  }
0x66: {  	_ =	shalt  }
0x67: {  	_ =	shalt  }
0x68: {  	_ =	shalt  }
0x69: {  	_ =	shalt  }
0x6a: {  	_ =	shalt  }
0x6b: {  	_ =	shalt  }
0x6c: {  	_ =	shalt  }
0x6d: {  	_ =	shalt  }
0x6e: {  	_ =	shalt  }
0x6f: {  	_ =	shalt  }
0x70: {  	_ =	shalt  }
0x71: {  	_ =	shalt  }
0x72: {  	_ =	shalt  }
0x73: {  	_ =	shalt  }
0x74: {  	_ =	shalt  }
0x75: {  	_ =	shalt  }
0x76: {  	_ =	shalt  }
0x77: {  	_ =	shalt  }
0x78: {  	_ =	shalt  }
0x79: {  	_ =	shalt  }
0x7a: {  	_ =	shalt  }
0x7b: {  	_ =	shalt  }
0x7c: {  	_ =	shalt  }
0x7d: {  	_ =	shalt  }
0x7e: {  	_ =	shalt  }
0x7f: {  	_ =	shalt  }
0x80: {  	_ =	shalt  }
0x81: {  	_ =	shalt  }
0x82: {  	_ =	shalt  }
0x83: {  	_ =	shalt  }
0x84: {  	_ =	shalt  }
0x85: {  	_ =	shalt  }
0x86: {  	_ =	shalt  }
0x87: {  	_ =	shalt  }
.Lfunc_end0:
.L_simem_size_0:
called_computation.1_lowered:
.L_overlay_start_0:
0x88: {  	s2 =	sld [smem:$0x3FD9]  }
0x89: {  	s3 =	sld [smem:$0x3FFE];
	_ =	sdelay $0x1  }
0x8a: {  	s1 =	srdreg.scid  }
0x8b: {  	s0 =	sand.u32 $0x1, s1  }
0x8c: {  	s17 =	sshll.u32 s0, $0xA;
	s2 =	sadd.s32 s3, s2  }
0x8d: {  	s2 =	sadd.s32 s2, s17  }
0x8e: {  	[smem:$0x3FBD] =	sst s2  }
0x8f: {  	_ = 	snop  }
0x90: {  	s2 =	sld [smem:$0x3FD0];
	(tm) =	ssettm $0x1  }
0x91: {  	s18 =	sld [smem:$0x3FFB];
	_ =	sdelay $0x3  }
0x92: {  	_ =	strace s18  }
0x93: {  	s3 =	sld [smem:$0x3FFC];
	_ =	sdelay $0x3  }
0x94: {  	_ =	strace s3  }
0x95: {  	s3 =	sld [smem:$0x3FFD];
	_ =	sdelay $0x3  }
0x96: {  	_ =	strace s3  }
0x97: {  	_ =	strace $0x8FFFFFFF  }
0x98: {  	s19 =	sld [smem:$0x3FDB];
	_ =	sdelay $0x1  }
0x99: {  	s4 =	simm.s32 $_scs_section_size  }
0x9a: {  	s5 =	simm.s32 $_size__tile_overlayer_lowered;
	s6 =	simm.s32 $_tile_overlayer_lowered  }
0x9b: {  	s22 =	simm.s32 $0x1BFF;
	s21 =	sshll.u32 s6, $0x1;
	s3 =	sadd.s32 s4, s19  }
0x9c: {  	s7 =	simm.s32 $0x0;
	s20 =	sshll.u32 s5, $0x1;
	s5 =	sadd.s32 s21, s3  }
0x9d: {  	[timem:s7], [sflag:s22] =	dma.local [hbm:s5], s20  }
0x9e: {  	_ =	swait.ge [sflag:s22], s20  }
0x9f: {  	s4 =	ssub.s32 $0x0, s20;
	[sflag:s22] =	ssyncset.done $0x0  }
0xa0: {  	[sflag:s22] =	ssyncadd.s32 s4;
	_ =	sdelay $0x1  }
0xa1: {  	s23 =	simm.s32 $0x1B8B  }
0xa2: {  	_ =	swait.ge [sflag:s23], $0x1  }
0xa3: {  	[sflag:s23] =	ssyncset.done $0x0  }
0xa4: {  	s25 =	simm.s32 $0x1B8E;
	s24 =	sld [smem:$0x3FFE];
	[sflag:s23] =	ssyncadd.s32 $0xFFFFFFFF  }
0xa5: {  	s26 =	simm.s32 $execute0_lowered;
	[smem:$0x3FD2] =	sst s25  }
0xa6: {  	s5 =	sshll.u32 s26, $0x1;
	_ =	strace $0x80000049;
	[dreg:$0x1] =	wrdreg $0xFFFFFFFF  }
0xa7: {  	s28 =	simm.s32 $_size_execute0_lowered;
	s3 =	sadd.s32 s3, s5;
	[dreg:$0x0] =	wrdreg $0x0  }
0xa8: {  	s5 =	sshll.u32 s28, $0x1;
	[dreg:$0x2] =	wrdreg s3  }
0xa9: {  	[dreg:$0x3] =	wrdreg s5  }
0xaa: {  	[dreg:$0x4] =	wrdreg $0xC0  }
0xab: {  	_ =	task [dreg:s7], $0x5FFFF  }
0xac: {  	[dreg:$0x1] =	wrdreg $0xFFFFFFFF  }
0xad: {  	[dreg:$0x0] =	wrdreg $0x60  }
0xae: {  	[dreg:$0x2] =	wrdreg s2  }
0xaf: {  	[dreg:$0x3] =	wrdreg s24  }
0xb0: {  	[dreg:$0x4] =	wrdreg $0xA8000  }
0xb1: {  	[dreg:$0x5] =	wrdreg $0x9  }
0xb2: {  	_ =	task.clear_ibuf [dreg:s7], $0x6FFFF;
	_ =	strace $0x90000049  }
0xb3: {  	s29 =	simm.s32 $0x9;
	_ =	strace $0x8000004B  }
0xb4: {  	_ =	swait.ge [sflag:s29], $0x1  }
0xb5: {  	[sflag:s29] =	ssyncadd.s32 $0xFFFFFFFF  }
0xb6: {  	_ =	strace $0x9000004B  }
0xb7: {  	_ =	sfence  }
0xb8: {  	s30 =	sld [smem:$0x0];
	_ =	sdelay $0x2  }
0xb9: {  	s31 =	sshll.u32 s1, $0xD;
	s1 =	sshrl.u32 s1, $0x2  }
0xba: {  	s3 =	sand.u32 $0x4000, s31;
	s1 =	sadd.s32 s1, s30  }
0xbb: {  	s0 =	sor.u32 s3, s0;
	s1 =	sshll.u32 s1, $0x11  }
0xbc: {  	s0 =	sor.u32 s1, s0  }
0xbd: {  	s0 =	sadd.s32 $0x8F2B, s0  }
0xbe: {  	[sflag:s0] =	ssyncadd.remote.s32 $0x1  }
0xbf: {  	_ =	sfence.sel $0xFFFF  }
0xc0: {  	[dreg:$0x0] =	wrdreg $0xFFFFFFFF;
	(pc) =	sbr.abs _section_cstart, $3  }
0xc1: {  	[dreg:$0x1] =	wrdreg $0xFFFFFFFF  }
0xc2: {  	_ =	task.clear_ibuf [dreg:s7], $0x2FFFF;
	_ =	strace $0x9FFFFFFF  }
0xc3: {  	(tm) =	ssettm $0x7FFFFFFF  }
tec
execute0_lowered:
.L_overlay_start_1:
0x0: {  	(tag) =	ssettag $0x1  }
0x1: {  	s2 =	rddreg [dreg:$0x0]  }
0x2: {  	s5 =	rddreg [dreg:$0x1]  }
0x3: {  	s3 =	rddreg [dreg:$0x2]  }
0x4: {  	s0 =	rddreg [dreg:$0x3];
	s1 =	stileid.u32  }
0x5: {  	s7 =	srdreg.scid;
	s4 =	simm.s32 $0x0;
	s15 =	simm.s32 $0x3400  }
0x6: {  	s16 =	simm.s32 $0x80;
	s17 =	simm.s32 $0x6800;
	s6 =	smul.u32 $0x680, s1  }
0x7: {  	s18 =	simm.s32 $0x1;
	s8 =	smul.u32 $0x14000, s1;
	s7 =	sand.u32 $0x1, s7  }
0x8: {  	[smem:$0x7FF] =	sst s4;
	s9 =	sshll.u32 s1, $0xA;
	s28 =	smul.u32 $0x50000, s1  }
0x9: {  	s31 =	sshll.u32 s1, $0x6;
	s10 =	smul.u32 $0x140000, s7;
	_ =	strace $0x8000004A  }
0xa: {  	s9 =	sadd.s32 s9, s5;
	s12 =	ssub.s32 $0x2, s7;
	p0 =	seq.s32 s7, $0x1  }
0xb: {  	s11 =	sadd.s32 s6, s5;
	s26 =	sshrl.u32 s8, $0x3;
	s29 =	sshrl.u32 s12, $0x1  }
0xc: {  	s30 =	sshrl.u32 s28, $0x2;
	s7 =	sadd.s32 $0x36000, s9;
	s8 =	sadd.s32 s8, s10  }
.Ltmp0:
0xd: {  	s6 =	sadd.s32 s26, s5;
	s12 =	ssub.s32 s12, s29;
	(pc) =	sbr.rel .LBB2_1-.Ltmp0, $4  }
0xe: {  	s14 =	sadd.s32 s30, s3;
	s10 =	sadd.s32 $0x2F800, s11;
	s8 =	sshrl.u32 s8, $0x3  }
0xf: {  	s12 =	smax.u32 s12, $0x1;
	s13 =	sadd.s32 s8, s5;
	s5 =	sadd.s32 $0x1000, s6  }
0x10: {  	s6 =	sor.u32 $0x1C02, s31;
	s8 =	sadd.s32 $0x3A000, s9;
	s9 =	sadd.s32 $0x29000, s11  }
0x11: {  	s11 =	sadd.s32 $0x3E000, s13;
	s13 =	sshrl.u32 s14, $0x3;
	s14 =	simm.s32 $0x2  }
.LBB2_7:
0x12: {  	s19 =	sshra.s32 s19, $0x2;
	[sflag:s14] =	ssyncadd.s32 $0xFFFFC000  }
0x13: {  	[tilespmem:s17], [sflag:$0x1] =	stream.indirect.gather [hbm4b:s2+s16], $0x80, s19, s16, $0xb8;
	[tilespmem:$0x1E800] =	vst v63  }
0x14: {  	_ =	swait.ge [sflag:s18], $0x4000  }
0x15: {  	[sflag:s18] =	ssyncset.done $0x0  }
0x16: {  	s19 =	sadd.s32 $0x3400, s19;
	[sflag:s18] =	ssyncadd.s32 $0xFFFFC000  }
0x17: {  	[spmem:s3] =	stream.indirect.scatter.add.f32 [tilespmem:s17], [sflag:$0x2], $0x80, s19, s16, $0xb8;
	[tilespmem:$0x1E800] =	vst v63  }
0x18: {  	_ =	swait.ge [sflag:s14], $0x4000  }
0x19: {  	[sflag:s14] =	ssyncset.done $0x0  }
0x1a: {  	[sflag:s14] =	ssyncadd.s32 $0xFFFFC000  }
.LBB2_8:
0x1b: {  	s4 =	sadd.s32 $0x1, s4  }
0x1c: {  	p1 =	sne.s32 s4, s12  }
.Ltmp1:
0x1d: {  	[bflag:$0x0] =	sbarrier.arrive $0xFFFF;
	(pc) =	sbr.rel @!p1 .LBB2_9-.Ltmp1, $4  }
0x1e: {  	[hbm:s11], [sflag:s6] =	dma.local [spmem:s13], $0x2800  }
0x1f: {  	_ =	swait.ge [sflag:s14], $0x2800  }
0x20: {  	[sflag:s14] =	ssyncset.done $0x0  }
0x21: {  	[sflag:s14] =	ssyncadd.s32 $0xFFFFD800  }
.LBB2_1:
0x22: {  	[spmem:s13], [sflag:s6] =	dma.local [hbm:s5], $0x2800  }
.Ltmp2:
0x23: {  	_ =	swait.ge [sflag:s14], $0x2800;
	(pc) =	sbr.rel @!p0 .LBB2_2-.Ltmp2, $4  }
0x24: {  	[sflag:s14] =	ssyncset.done $0x0  }
0x25: {  	[sflag:s14] =	ssyncadd.s32 $0xFFFFD800  }
0x26: {  	[bflag:$0x0] =	sbarrier.arrive $0xFFFF  }
0x27: {  	s19 =	simm.s32 $0x0  }
0x28: {  	[tilespmem:s19], [sflag:$0x2] =	stream.linear.gather [hbm4b:s9+s19], $0x3300, $0x38;
	[tilespmem:$0x1E800] =	vst v63  }
0x29: {  	_ =	swait.ge [sflag:s14], $0x3300  }
0x2a: {  	[sflag:s14] =	ssyncset.done $0x0  }
0x2b: {  	[sflag:s14] =	ssyncadd.s32 $0xFFFFCD00  }
0x2c: {  	[tilespmem:s15], [sflag:$0x2] =	stream.linear.gather [hbm4b:s10+s19], $0x3300, $0x38;
	[tilespmem:$0x1E800] =	vst v63  }
0x2d: {  	_ =	swait.ge [sflag:s14], $0x3300  }
0x2e: {  	[sflag:s14] =	ssyncset.done $0x0  }
0x2f: {  	s30 =	simm.s32 $0x0;
	[sflag:s14] =	ssyncadd.s32 $0xFFFFCD00  }
0x30: {  	[tilespmem:s17], [sflag:$0x1] =	stream.indirect.gather [hbm4b:s2+s16], $0x80, s30, s16, $0xb8;
	[tilespmem:$0x1E800] =	vst v63  }
0x31: {  	_ =	swait.ge [sflag:s18], $0x4000  }
0x32: {  	[sflag:s18] =	ssyncset.done $0x0  }
0x33: {  	s31 =	simm.s32 $0x3400;
	[sflag:s18] =	ssyncadd.s32 $0xFFFFC000  }
0x34: {  	[spmem:s3] =	stream.indirect.scatter.add.f32 [tilespmem:s17], [sflag:$0x2], $0x80, s31, s16, $0xb8;
	[tilespmem:$0x1E800] =	vst v63  }
0x35: {  	_ =	swait.ge [sflag:s14], $0x4000  }
0x36: {  	s20 =	simm.s32 $0x400;
	s19 =	simm.s32 $0x200;
	[sflag:s14] =	ssyncset.done $0x0  }
.LBB2_6:
0x37: {  	s21 =	sshra.s32 s19, $0x2  }
0x38: {  	[sflag:s14] =	ssyncadd.s32 $0xFFFFC000;
	s19 =	smov.u32 s20;
	s22 =	sadd.s32 $0x200, s20  }
0x39: {  	[tilespmem:s17], [sflag:$0x1] =	stream.indirect.gather [hbm4b:s2+s16], $0x80, s21, s16, $0xb8;
	[tilespmem:$0x1E800] =	vst v63  }
0x3a: {  	p1 =	sne.s32 s20, $0xCA00;
	_ =	swait.ge [sflag:s18], $0x4000  }
.Ltmp3:
0x3b: {  	[sflag:s18] =	ssyncset.done $0x0;
	(pc) =	sbr.rel @p1 .LBB2_6-.Ltmp3, $4  }
0x3c: {  	s20 =	sadd.s32 $0x3400, s21;
	[sflag:s18] =	ssyncadd.s32 $0xFFFFC000  }
0x3d: {  	[spmem:s3] =	stream.indirect.scatter.add.f32 [tilespmem:s17], [sflag:$0x2], $0x80, s20, s16, $0xb8;
	[tilespmem:$0x1E800] =	vst v63  }
0x3e: {  	_ =	swait.ge [sflag:s14], $0x4000  }
0x3f: {  	s20 =	smov.u32 s22;
	[sflag:s14] =	ssyncset.done $0x0  }
.Ltmp4:
0x40: {  	_ = 	snop;
	(pc) =	sbr.rel .LBB2_7-.Ltmp4, $1  }
0x41: {  	_ =	sdelay $0x3  }
.LBB2_2:
0x42: {  	[tilespmem:s19], [sflag:$0x2] =	stream.linear.gather [hbm4b:s7+s19], $0x1D00, $0x38;
	[tilespmem:$0x1E800] =	vst v63  }
0x43: {  	_ =	swait.ge [sflag:s14], $0x1D00  }
0x44: {  	[sflag:s14] =	ssyncset.done $0x0  }
0x45: {  	[sflag:s14] =	ssyncadd.s32 $0xFFFFE300  }
0x46: {  	[tilespmem:s15], [sflag:$0x2] =	stream.linear.gather [hbm4b:s8+s19], $0x1D00, $0x38;
	[tilespmem:$0x1E800] =	vst v63  }
0x47: {  	_ =	swait.ge [sflag:s14], $0x1D00  }
0x48: {  	[sflag:s14] =	ssyncset.done $0x0  }
0x49: {  	s30 =	simm.s32 $0x0;
	[sflag:s14] =	ssyncadd.s32 $0xFFFFE300  }
0x4a: {  	[tilespmem:s17], [sflag:$0x1] =	stream.indirect.gather [hbm4b:s2+s16], $0x80, s30, s16, $0xb8;
	[tilespmem:$0x1E800] =	vst v63  }
0x4b: {  	_ =	swait.ge [sflag:s18], $0x4000  }
0x4c: {  	[sflag:s18] =	ssyncset.done $0x0  }
0x4d: {  	s31 =	simm.s32 $0x3400;
	[sflag:s18] =	ssyncadd.s32 $0xFFFFC000  }
0x4e: {  	[spmem:s3] =	stream.indirect.scatter.add.f32 [tilespmem:s17], [sflag:$0x2], $0x80, s31, s16, $0xb8;
	[tilespmem:$0x1E800] =	vst v63  }
0x4f: {  	_ =	swait.ge [sflag:s14], $0x4000  }
0x50: {  	s20 =	simm.s32 $0x400;
	s19 =	simm.s32 $0x200;
	[sflag:s14] =	ssyncset.done $0x0  }
.LBB2_3:
0x51: {  	s21 =	sshra.s32 s19, $0x2  }
0x52: {  	[sflag:s14] =	ssyncadd.s32 $0xFFFFC000;
	s19 =	smov.u32 s20;
	s22 =	sadd.s32 $0x200, s20  }
0x53: {  	[tilespmem:s17], [sflag:$0x1] =	stream.indirect.gather [hbm4b:s2+s16], $0x80, s21, s16, $0xb8;
	[tilespmem:$0x1E800] =	vst v63  }
0x54: {  	p1 =	seq.s32 s20, $0x7200;
	_ =	swait.ge [sflag:s18], $0x4000  }
.Ltmp5:
0x55: {  	[sflag:s18] =	ssyncset.done $0x0;
	(pc) =	sbr.rel @!p1 .LBB2_3-.Ltmp5, $4  }
0x56: {  	s20 =	sadd.s32 $0x3400, s21;
	[sflag:s18] =	ssyncadd.s32 $0xFFFFC000  }
0x57: {  	[spmem:s3] =	stream.indirect.scatter.add.f32 [tilespmem:s17], [sflag:$0x2], $0x80, s20, s16, $0xb8;
	[tilespmem:$0x1E800] =	vst v63  }
0x58: {  	_ =	swait.ge [sflag:s14], $0x4000  }
0x59: {  	s20 =	smov.u32 s22;
	[sflag:s14] =	ssyncset.done $0x0  }
0x5a: {  	s19 =	sshra.s32 s19, $0x2;
	[sflag:s14] =	ssyncadd.s32 $0xFFFFC000  }
0x5b: {  	[tilespmem:s17], [sflag:$0x1] =	stream.indirect.gather [hbm4b:s2+s16], $0x80, s19, s16, $0xb8;
	[tilespmem:$0x1E800] =	vst v63  }
0x5c: {  	_ =	swait.ge [sflag:s18], $0x4000  }
0x5d: {  	[sflag:s18] =	ssyncset.done $0x0  }
.Ltmp6:
0x5e: {  	s19 =	sadd.s32 $0x3400, s19;
	[sflag:s18] =	ssyncadd.s32 $0xFFFFC000;
	(pc) =	sbr.rel .LBB2_8-.Ltmp6, $4  }
0x5f: {  	[spmem:s3] =	stream.indirect.scatter.add.f32 [tilespmem:s17], [sflag:$0x2], $0x80, s19, s16, $0xb8;
	[tilespmem:$0x1E800] =	vst v63  }
0x60: {  	_ =	swait.ge [sflag:s14], $0x4000  }
0x61: {  	[sflag:s14] =	ssyncset.done $0x0  }
0x62: {  	[sflag:s14] =	ssyncadd.s32 $0xFFFFC000  }
.LBB2_9:
0x63: {  	_ =	sfence.sel $0x180000  }
0x64: {  	[bflag:$0x0] =	sbarrier.arrive $0xFFFF  }
0x65: {  	p0 =	sne.s32 s1, $0x0;
	_ =	strace $0x9000004A  }
0x66: {  	s0 =	sadd.s32 @!p0 $0x100000, s0;
	[bflag:$0x2] =	sbarrier.arrive $0xFFFF  }
0x67: {  	[sflag:s0] =	ssyncadd.tile.s32 @!p0 $0x1;
	_ =	shalt  }
.Lfunc_end2:
_tile_overlayer_lowered:
.L_overlay_start_2:
0x68: {  	(tag) =	ssettag $0x2  }
0x69: {  	s0 =	rddreg [dreg:$0x0];
	s2 =	stileid.u32  }
0x6a: {  	s1 =	rddreg [dreg:$0x1];
	p0 =	sne.s32 s2, $0x0  }
0x6b: {  	s3 =	rddreg [dreg:$0x2];
	[bflag:$0x3] =	sbarrier.arrive $0xFFFF;
	s2 =	simm.s32 @!p0 $0x1C02  }
0x6c: {  	[timem:s3], [sflag:s2] =	dma.local @!p0 [hbm:s0], s1  }
0x6d: {  	s0 =	simm.s32 @!p0 $0x2  }
0x6e: {  	_ =	swait.ge @!p0 [sflag:s0], s1  }
0x6f: {  	s1 =	ssub.s32 @!p0 $0x0, s1;
	[sflag:s0] =	ssyncset.done @!p0 $0x0  }
0x70: {  	[sflag:s0] =	ssyncadd.s32 @!p0 s1  }
0x71: {  	[bflag:$0x3] =	sbarrier.arrive $0xFFFF  }
0x72: {  	_ =	shalt  }

// kernel: kernel.14.cloned.1.call-start
scs
__scs_entry_jumppad:
0x0: {  	(pc) =	sbr.rel $0x88, $3  }
0x1: {  	(tag) =	ssettag $0x0;
	lr =	simm.s32 $0x1  }
0x2: {  	[smem:$0x3F96] =	sst lr;
	_ =	strace $0xD0000000  }
0x3: {  	_ = 	snop  }
0x4: {  	_ = 	snop  }
0x5: {  	_ = 	snop  }
0x6: {  	_ = 	snop  }
0x7: {  	_ = 	snop  }
__scs_overlays_trampoline_lowered:
0x8: {  	[smem:$0x3FA5] =	sst s0  }
0x9: {  	[smem:$0x3FA6] =	sst s1  }
0xa: {  	[smem:$0x3FA7] =	sst s2  }
0xb: {  	[smem:$0x3FA8] =	sst s3  }
0xc: {  	[smem:$0x3FA9] =	sst s4  }
0xd: {  	[smem:$0x3FAA] =	sst s5  }
0xe: {  	[smem:$0x3FAB] =	sst s6  }
0xf: {  	[smem:$0x3FAC] =	sst s7  }
0x10: {  	[smem:$0x3FAD] =	sst s8  }
0x11: {  	[smem:$0x3FAE] =	sst s9;
	s0 =	simm.s32 @!p0 $0x0  }
0x12: {  	s1 =	sld [smem:$0x3F94];
	s0 =	simm.s32 @p0 $0x1  }
0x13: {  	[smem:$0x3FAF] =	sst s0;
	s0 =	simm.s32 @!p1 $0x0  }
0x14: {  	s2 =	sld [smem:$0x3F93];
	s0 =	simm.s32 @p1 $0x1  }
0x15: {  	[smem:$0x3FB0] =	sst s0;
	s0 =	simm.s32 @!p2 $0x0  }
0x16: {  	s3 =	sld [smem:$0x3FDB];
	s0 =	simm.s32 @p2 $0x1  }
0x17: {  	s4 =	simm.s32 $0x1BF5;
	[smem:$0x3FB2] =	sst s0  }
0x18: {  	s0 =	sld [smem:$0x3F95];
	_ =	swait.ge [sflag:s4], $0x0  }
0x19: {  	s7 =	sld [smem:$0x3F96]  }
0x1a: {  	s8 =	sadd.s32 $0xFFFFE003, lr  }
0x1b: {  	s9 =	sadd.s32 $0xFFFFFEF7, lr;
	s5 =	simm.s32 $0xFFFFFFFF;
	p2 =	slt.u32 s8, $0xFFFFF086  }
0x1c: {  	p1 =	slt.u32 s9, $0xF7A;
	s5 =	simm.s32 @!p2 $0x0  }
0x1d: {  	s5 =	simm.s32 @p1 $0x1;
	p0 =	seq.s32 s7, s2  }
0x1e: {  	s7 =	smul.u32 @!p0 $0xF7A, s2;
	p2 =	seq.s32 @!p0 s5, $0x0  }
0x1f: {  	s9 =	smul.u32 $0xF7A, s1;
	s8 =	simm.s32 @!p0 $0x1BF5;
	p2 =	por !p2, p0  }
0x20: {  	[sflag:s8] =	ssyncset.s32 @!p0 $0xFFFFF086;
	s6 =	sadd.s32 @!p0 s3, s7;
	s7 =	simm.s32 @!p0 $0x108  }
0x21: {  	s3 =	sadd.s32 s3, s9;
	s6 =	sadd.s32 @!p0 $0x88, s6;
	s7 =	simm.s32 @p2 $0x1082  }
0x22: {  	[simem:s7], [sflag:s8] =	dma.local @!p0 [hbm:s6], $0xF7A  }
0x23: {  	s9 =	sor.u32 $0xD0000000, s2;
	s6 =	simm.s32 $0x108;
	_ =	swait.ge @!p0 [sflag:s8], $0x0  }
0x24: {  	s3 =	sadd.s32 $0x88, s3;
	s6 =	simm.s32 @!p1 $0x1082;
	[sflag:s4] =	ssyncset.s32 $0xFFFFF086  }
0x25: {  	[simem:s6], [sflag:s4] =	dma.local [hbm:s3], $0xF7A  }
0x26: {  	[smem:$0x3F96] =	sst s1;
	(tag) =	ssettag s2;
	_ =	strace s9  }
0x27: {  	s1 =	sld [smem:$0x3FA6]  }
0x28: {  	s2 =	sld [smem:$0x3FA7]  }
0x29: {  	s4 =	sld [smem:$0x3FA9]  }
0x2a: {  	p0 =	seq.s32 s5, $0x0;
	s5 =	sld [smem:$0x3FAA]  }
0x2b: {  	s6 =	sld [smem:$0x3FAB]  }
0x2c: {  	s7 =	sld [smem:$0x3FAC]  }
0x2d: {  	s3 =	simm.s32 $0x108;
	s8 =	sld [smem:$0x3FAD]  }
0x2e: {  	s3 =	simm.s32 @!p0 $0x1082;
	s9 =	sld [smem:$0x3FAE]  }
0x2f: {  	lr =	sadd.s32 s0, s3;
	s0 =	sld [smem:$0x3FA5]  }
0x30: {  	s3 =	sld [smem:$0x3FA8]  }
0x31: {  	[smem:$0x3FB1] =	sst s10  }
0x32: {  	s10 =	sld [smem:$0x3FAF];
	_ =	sdelay $0x3  }
0x33: {  	p0 =	seq.s32 s10, $0x1;
	s10 =	sld [smem:$0x3FB1];
	_ =	sdelay $0x3  }
0x34: {  	[smem:$0x3FB1] =	sst s10  }
0x35: {  	s10 =	sld [smem:$0x3FB0];
	_ =	sdelay $0x3  }
0x36: {  	p1 =	seq.s32 s10, $0x1;
	s10 =	sld [smem:$0x3FB1];
	_ =	sdelay $0x3  }
0x37: {  	[smem:$0x3FB1] =	sst s10  }
0x38: {  	s10 =	sld [smem:$0x3FB2]  }
0x39: {  	_ = 	snop;
	(pc) =	sbr.ind lr, $3  }
0x3a: {  	_ = 	snop  }
0x3b: {  	_ = 	snop  }
0x3c: {  	p2 =	seq.s32 s10, $0x1;
	s10 =	sld [smem:$0x3FB1]  }
0x3d: {  	_ =	shalt  }
0x3e: {  	_ =	shalt  }
0x3f: {  	_ =	shalt  }
0x40: {  	_ =	shalt  }
0x41: {  	_ =	shalt  }
0x42: {  	_ =	shalt  }
0x43: {  	_ =	shalt  }
0x44: {  	_ =	shalt  }
0x45: {  	_ =	shalt  }
0x46: {  	_ =	shalt  }
0x47: {  	_ =	shalt  }
0x48: {  	_ =	shalt  }
0x49: {  	_ =	shalt  }
0x4a: {  	_ =	shalt  }
0x4b: {  	_ =	shalt  }
0x4c: {  	_ =	shalt  }
0x4d: {  	_ =	shalt  }
0x4e: {  	_ =	shalt  }
0x4f: {  	_ =	shalt  }
0x50: {  	_ =	shalt  }
0x51: {  	_ =	shalt  }
0x52: {  	_ =	shalt  }
0x53: {  	_ =	shalt  }
0x54: {  	_ =	shalt  }
0x55: {  	_ =	shalt  }
0x56: {  	_ =	shalt  }
0x57: {  	_ =	shalt  }
0x58: {  	_ =	shalt  }
0x59: {  	_ =	shalt  }
0x5a: {  	_ =	shalt  }
0x5b: {  	_ =	shalt  }
0x5c: {  	_ =	shalt  }
0x5d: {  	_ =	shalt  }
0x5e: {  	_ =	shalt  }
0x5f: {  	_ =	shalt  }
0x60: {  	_ =	shalt  }
0x61: {  	_ =	shalt  }
0x62: {  	_ =	shalt  }
0x63: {  	_ =	shalt  }
0x64: {  	_ =	shalt  }
0x65: {  	_ =	shalt  }
0x66: {  	_ =	shalt  }
0x67: {  	_ =	shalt  }
0x68: {  	_ =	shalt  }
0x69: {  	_ =	shalt  }
0x6a: {  	_ =	shalt  }
0x6b: {  	_ =	shalt  }
0x6c: {  	_ =	shalt  }
0x6d: {  	_ =	shalt  }
0x6e: {  	_ =	shalt  }
0x6f: {  	_ =	shalt  }
0x70: {  	_ =	shalt  }
0x71: {  	_ =	shalt  }
0x72: {  	_ =	shalt  }
0x73: {  	_ =	shalt  }
0x74: {  	_ =	shalt  }
0x75: {  	_ =	shalt  }
0x76: {  	_ =	shalt  }
0x77: {  	_ =	shalt  }
0x78: {  	_ =	shalt  }
0x79: {  	_ =	shalt  }
0x7a: {  	_ =	shalt  }
0x7b: {  	_ =	shalt  }
0x7c: {  	_ =	shalt  }
0x7d: {  	_ =	shalt  }
0x7e: {  	_ =	shalt  }
0x7f: {  	_ =	shalt  }
0x80: {  	_ =	shalt  }
0x81: {  	_ =	shalt  }
0x82: {  	_ =	shalt  }
0x83: {  	_ =	shalt  }
0x84: {  	_ =	shalt  }
0x85: {  	_ =	shalt  }
0x86: {  	_ =	shalt  }
0x87: {  	_ =	shalt  }
.Lfunc_end0:
.L_simem_size_0:
called_computation.2_lowered:
.L_overlay_start_0:
0x88: {  	s2 =	sld [smem:$0x3FD9]  }
0x89: {  	s3 =	sld [smem:$0x3FFE];
	_ =	sdelay $0x1  }
0x8a: {  	s1 =	srdreg.scid  }
0x8b: {  	s0 =	sand.u32 $0x1, s1  }
0x8c: {  	s17 =	sshll.u32 s0, $0xA;
	s2 =	sadd.s32 s3, s2  }
0x8d: {  	s2 =	sadd.s32 s2, s17  }
0x8e: {  	[smem:$0x3FBD] =	sst s2  }
0x8f: {  	_ = 	snop  }
0x90: {  	s2 =	sld [smem:$0x3FD0];
	(tm) =	ssettm $0x1  }
0x91: {  	s18 =	sld [smem:$0x3FFB];
	_ =	sdelay $0x3  }
0x92: {  	_ =	strace s18  }
0x93: {  	s3 =	sld [smem:$0x3FFC];
	_ =	sdelay $0x3  }
0x94: {  	_ =	strace s3  }
0x95: {  	s3 =	sld [smem:$0x3FFD];
	_ =	sdelay $0x3  }
0x96: {  	_ =	strace s3  }
0x97: {  	_ =	strace $0x8FFFFFFF  }
0x98: {  	s19 =	sld [smem:$0x3FDB];
	_ =	sdelay $0x1  }
0x99: {  	s4 =	simm.s32 $_scs_section_size  }
0x9a: {  	s5 =	simm.s32 $_size__tile_overlayer_lowered;
	s6 =	simm.s32 $_tile_overlayer_lowered  }
0x9b: {  	s22 =	simm.s32 $0x1BFF;
	s21 =	sshll.u32 s6, $0x1;
	s3 =	sadd.s32 s4, s19  }
0x9c: {  	s7 =	simm.s32 $0x0;
	s20 =	sshll.u32 s5, $0x1;
	s5 =	sadd.s32 s21, s3  }
0x9d: {  	[timem:s7], [sflag:s22] =	dma.local [hbm:s5], s20  }
0x9e: {  	_ =	swait.ge [sflag:s22], s20  }
0x9f: {  	s4 =	ssub.s32 $0x0, s20;
	[sflag:s22] =	ssyncset.done $0x0  }
0xa0: {  	[sflag:s22] =	ssyncadd.s32 s4;
	_ =	sdelay $0x1  }
0xa1: {  	s23 =	simm.s32 $0x1B8B  }
0xa2: {  	_ =	swait.ge [sflag:s23], $0x1  }
0xa3: {  	[sflag:s23] =	ssyncset.done $0x0  }
0xa4: {  	s25 =	simm.s32 $0x1B8E;
	s24 =	sld [smem:$0x3FFE];
	[sflag:s23] =	ssyncadd.s32 $0xFFFFFFFF  }
0xa5: {  	s26 =	simm.s32 $execute0_lowered;
	[smem:$0x3FD2] =	sst s25  }
0xa6: {  	s5 =	sshll.u32 s26, $0x1;
	_ =	strace $0x8000004C;
	[dreg:$0x1] =	wrdreg $0xFFFFFFFF  }
0xa7: {  	s28 =	simm.s32 $_size_execute0_lowered;
	s3 =	sadd.s32 s3, s5;
	[dreg:$0x0] =	wrdreg $0x0  }
0xa8: {  	s5 =	sshll.u32 s28, $0x1;
	[dreg:$0x2] =	wrdreg s3  }
0xa9: {  	[dreg:$0x3] =	wrdreg s5  }
0xaa: {  	[dreg:$0x4] =	wrdreg $0xC0  }
0xab: {  	_ =	task [dreg:s7], $0x5FFFF  }
0xac: {  	[dreg:$0x1] =	wrdreg $0xFFFFFFFF  }
0xad: {  	[dreg:$0x0] =	wrdreg $0x60  }
0xae: {  	[dreg:$0x2] =	wrdreg s2  }
0xaf: {  	[dreg:$0x3] =	wrdreg s24  }
0xb0: {  	[dreg:$0x4] =	wrdreg $0xA8000  }
0xb1: {  	[dreg:$0x5] =	wrdreg $0x9  }
0xb2: {  	_ =	task.clear_ibuf [dreg:s7], $0x6FFFF;
	_ =	strace $0x9000004C  }
0xb3: {  	s29 =	simm.s32 $0x9;
	_ =	strace $0x8000004E  }
0xb4: {  	_ =	swait.ge [sflag:s29], $0x1  }
0xb5: {  	[sflag:s29] =	ssyncadd.s32 $0xFFFFFFFF  }
0xb6: {  	_ =	strace $0x9000004E  }
0xb7: {  	_ =	sfence  }
0xb8: {  	s30 =	sld [smem:$0x0];
	_ =	sdelay $0x2  }
0xb9: {  	s31 =	sshll.u32 s1, $0xD;
	s1 =	sshrl.u32 s1, $0x2  }
0xba: {  	s3 =	sand.u32 $0x4000, s31;
	s1 =	sadd.s32 s1, s30  }
0xbb: {  	s0 =	sor.u32 s3, s0;
	s1 =	sshll.u32 s1, $0x11  }
0xbc: {  	s0 =	sor.u32 s1, s0  }
0xbd: {  	s0 =	sadd.s32 $0x8F2B, s0  }
0xbe: {  	[sflag:s0] =	ssyncadd.remote.s32 $0x1  }
0xbf: {  	_ =	sfence.sel $0xFFFF  }
0xc0: {  	[dreg:$0x0] =	wrdreg $0xFFFFFFFF;
	(pc) =	sbr.abs _section_cstart, $3  }
0xc1: {  	[dreg:$0x1] =	wrdreg $0xFFFFFFFF  }
0xc2: {  	_ =	task.clear_ibuf [dreg:s7], $0x2FFFF;
	_ =	strace $0x9FFFFFFF  }
0xc3: {  	(tm) =	ssettm $0x7FFFFFFF  }
tec
execute0_lowered:
.L_overlay_start_1:
0x0: {  	(tag) =	ssettag $0x1  }
0x1: {  	s2 =	rddreg [dreg:$0x0]  }
0x2: {  	s5 =	rddreg [dreg:$0x1]  }
0x3: {  	s3 =	rddreg [dreg:$0x2]  }
0x4: {  	s0 =	rddreg [dreg:$0x3];
	s1 =	stileid.u32  }
0x5: {  	s7 =	srdreg.scid;
	s4 =	simm.s32 $0x0;
	s15 =	simm.s32 $0x3400  }
0x6: {  	s16 =	simm.s32 $0x80;
	s17 =	simm.s32 $0x6800;
	s6 =	smul.u32 $0x680, s1  }
0x7: {  	s18 =	simm.s32 $0x1;
	s8 =	smul.u32 $0x14000, s1;
	s7 =	sand.u32 $0x1, s7  }
0x8: {  	[smem:$0x7FF] =	sst s4;
	s9 =	sshll.u32 s1, $0xA;
	s28 =	smul.u32 $0x50000, s1  }
0x9: {  	s31 =	sshll.u32 s1, $0x6;
	s10 =	smul.u32 $0x140000, s7;
	_ =	strace $0x8000004D  }
0xa: {  	s9 =	sadd.s32 s9, s5;
	s12 =	ssub.s32 $0x2, s7;
	p0 =	seq.s32 s7, $0x1  }
0xb: {  	s11 =	sadd.s32 s6, s5;
	s26 =	sshrl.u32 s8, $0x3;
	s29 =	sshrl.u32 s12, $0x1  }
0xc: {  	s30 =	sshrl.u32 s28, $0x2;
	s7 =	sadd.s32 $0x9B000, s9;
	s8 =	sadd.s32 s8, s10  }
.Ltmp0:
0xd: {  	s6 =	sadd.s32 s26, s5;
	s12 =	ssub.s32 s12, s29;
	(pc) =	sbr.rel .LBB2_1-.Ltmp0, $4  }
0xe: {  	s14 =	sadd.s32 s30, s3;
	s10 =	sadd.s32 $0x94800, s11;
	s8 =	sshrl.u32 s8, $0x3  }
0xf: {  	s12 =	smax.u32 s12, $0x1;
	s13 =	sadd.s32 s8, s5;
	s5 =	sadd.s32 $0x1000, s6  }
0x10: {  	s6 =	sor.u32 $0x1C02, s31;
	s8 =	sadd.s32 $0x9F000, s9;
	s9 =	sadd.s32 $0x8E000, s11  }
0x11: {  	s11 =	sadd.s32 $0x29000, s13;
	s13 =	sshrl.u32 s14, $0x3;
	s14 =	simm.s32 $0x2  }
.LBB2_7:
0x12: {  	s19 =	sshra.s32 s19, $0x2;
	[sflag:s14] =	ssyncadd.s32 $0xFFFFC000  }
0x13: {  	[tilespmem:s17], [sflag:$0x1] =	stream.indirect.gather [hbm4b:s2+s16], $0x80, s19, s16, $0xb8;
	[tilespmem:$0x1E800] =	vst v63  }
0x14: {  	_ =	swait.ge [sflag:s18], $0x4000  }
0x15: {  	[sflag:s18] =	ssyncset.done $0x0  }
0x16: {  	s19 =	sadd.s32 $0x3400, s19;
	[sflag:s18] =	ssyncadd.s32 $0xFFFFC000  }
0x17: {  	[spmem:s3] =	stream.indirect.scatter.add.f32 [tilespmem:s17], [sflag:$0x2], $0x80, s19, s16, $0xb8;
	[tilespmem:$0x1E800] =	vst v63  }
0x18: {  	_ =	swait.ge [sflag:s14], $0x4000  }
0x19: {  	[sflag:s14] =	ssyncset.done $0x0  }
0x1a: {  	[sflag:s14] =	ssyncadd.s32 $0xFFFFC000  }
.LBB2_8:
0x1b: {  	s4 =	sadd.s32 $0x1, s4  }
0x1c: {  	p1 =	sne.s32 s4, s12  }
.Ltmp1:
0x1d: {  	[bflag:$0x0] =	sbarrier.arrive $0xFFFF;
	(pc) =	sbr.rel @!p1 .LBB2_9-.Ltmp1, $4  }
0x1e: {  	[hbm:s11], [sflag:s6] =	dma.local [spmem:s13], $0x2800  }
0x1f: {  	_ =	swait.ge [sflag:s14], $0x2800  }
0x20: {  	[sflag:s14] =	ssyncset.done $0x0  }
0x21: {  	[sflag:s14] =	ssyncadd.s32 $0xFFFFD800  }
.LBB2_1:
0x22: {  	[spmem:s13], [sflag:s6] =	dma.local [hbm:s5], $0x2800  }
.Ltmp2:
0x23: {  	_ =	swait.ge [sflag:s14], $0x2800;
	(pc) =	sbr.rel @!p0 .LBB2_2-.Ltmp2, $4  }
0x24: {  	[sflag:s14] =	ssyncset.done $0x0  }
0x25: {  	[sflag:s14] =	ssyncadd.s32 $0xFFFFD800  }
0x26: {  	[bflag:$0x0] =	sbarrier.arrive $0xFFFF  }
0x27: {  	s19 =	simm.s32 $0x0  }
0x28: {  	[tilespmem:s19], [sflag:$0x2] =	stream.linear.gather [hbm4b:s9+s19], $0x3300, $0x38;
	[tilespmem:$0x1E800] =	vst v63  }
0x29: {  	_ =	swait.ge [sflag:s14], $0x3300  }
0x2a: {  	[sflag:s14] =	ssyncset.done $0x0  }
0x2b: {  	[sflag:s14] =	ssyncadd.s32 $0xFFFFCD00  }
0x2c: {  	[tilespmem:s15], [sflag:$0x2] =	stream.linear.gather [hbm4b:s10+s19], $0x3300, $0x38;
	[tilespmem:$0x1E800] =	vst v63  }
0x2d: {  	_ =	swait.ge [sflag:s14], $0x3300  }
0x2e: {  	[sflag:s14] =	ssyncset.done $0x0  }
0x2f: {  	s30 =	simm.s32 $0x0;
	[sflag:s14] =	ssyncadd.s32 $0xFFFFCD00  }
0x30: {  	[tilespmem:s17], [sflag:$0x1] =	stream.indirect.gather [hbm4b:s2+s16], $0x80, s30, s16, $0xb8;
	[tilespmem:$0x1E800] =	vst v63  }
0x31: {  	_ =	swait.ge [sflag:s18], $0x4000  }
0x32: {  	[sflag:s18] =	ssyncset.done $0x0  }
0x33: {  	s31 =	simm.s32 $0x3400;
	[sflag:s18] =	ssyncadd.s32 $0xFFFFC000  }
0x34: {  	[spmem:s3] =	stream.indirect.scatter.add.f32 [tilespmem:s17], [sflag:$0x2], $0x80, s31, s16, $0xb8;
	[tilespmem:$0x1E800] =	vst v63  }
0x35: {  	_ =	swait.ge [sflag:s14], $0x4000  }
0x36: {  	s20 =	simm.s32 $0x400;
	s19 =	simm.s32 $0x200;
	[sflag:s14] =	ssyncset.done $0x0  }
.LBB2_6:
0x37: {  	s21 =	sshra.s32 s19, $0x2  }
0x38: {  	[sflag:s14] =	ssyncadd.s32 $0xFFFFC000;
	s19 =	smov.u32 s20;
	s22 =	sadd.s32 $0x200, s20  }
0x39: {  	[tilespmem:s17], [sflag:$0x1] =	stream.indirect.gather [hbm4b:s2+s16], $0x80, s21, s16, $0xb8;
	[tilespmem:$0x1E800] =	vst v63  }
0x3a: {  	p1 =	sne.s32 s20, $0xCA00;
	_ =	swait.ge [sflag:s18], $0x4000  }
.Ltmp3:
0x3b: {  	[sflag:s18] =	ssyncset.done $0x0;
	(pc) =	sbr.rel @p1 .LBB2_6-.Ltmp3, $4  }
0x3c: {  	s20 =	sadd.s32 $0x3400, s21;
	[sflag:s18] =	ssyncadd.s32 $0xFFFFC000  }
0x3d: {  	[spmem:s3] =	stream.indirect.scatter.add.f32 [tilespmem:s17], [sflag:$0x2], $0x80, s20, s16, $0xb8;
	[tilespmem:$0x1E800] =	vst v63  }
0x3e: {  	_ =	swait.ge [sflag:s14], $0x4000  }
0x3f: {  	s20 =	smov.u32 s22;
	[sflag:s14] =	ssyncset.done $0x0  }
.Ltmp4:
0x40: {  	_ = 	snop;
	(pc) =	sbr.rel .LBB2_7-.Ltmp4, $1  }
0x41: {  	_ =	sdelay $0x3  }
.LBB2_2:
0x42: {  	[tilespmem:s19], [sflag:$0x2] =	stream.linear.gather [hbm4b:s7+s19], $0x1D00, $0x38;
	[tilespmem:$0x1E800] =	vst v63  }
0x43: {  	_ =	swait.ge [sflag:s14], $0x1D00  }
0x44: {  	[sflag:s14] =	ssyncset.done $0x0  }
0x45: {  	[sflag:s14] =	ssyncadd.s32 $0xFFFFE300  }
0x46: {  	[tilespmem:s15], [sflag:$0x2] =	stream.linear.gather [hbm4b:s8+s19], $0x1D00, $0x38;
	[tilespmem:$0x1E800] =	vst v63  }
0x47: {  	_ =	swait.ge [sflag:s14], $0x1D00  }
0x48: {  	[sflag:s14] =	ssyncset.done $0x0  }
0x49: {  	s30 =	simm.s32 $0x0;
	[sflag:s14] =	ssyncadd.s32 $0xFFFFE300  }
0x4a: {  	[tilespmem:s17], [sflag:$0x1] =	stream.indirect.gather [hbm4b:s2+s16], $0x80, s30, s16, $0xb8;
	[tilespmem:$0x1E800] =	vst v63  }
0x4b: {  	_ =	swait.ge [sflag:s18], $0x4000  }
0x4c: {  	[sflag:s18] =	ssyncset.done $0x0  }
0x4d: {  	s31 =	simm.s32 $0x3400;
	[sflag:s18] =	ssyncadd.s32 $0xFFFFC000  }
0x4e: {  	[spmem:s3] =	stream.indirect.scatter.add.f32 [tilespmem:s17], [sflag:$0x2], $0x80, s31, s16, $0xb8;
	[tilespmem:$0x1E800] =	vst v63  }
0x4f: {  	_ =	swait.ge [sflag:s14], $0x4000  }
0x50: {  	s20 =	simm.s32 $0x400;
	s19 =	simm.s32 $0x200;
	[sflag:s14] =	ssyncset.done $0x0  }
.LBB2_3:
0x51: {  	s21 =	sshra.s32 s19, $0x2  }
0x52: {  	[sflag:s14] =	ssyncadd.s32 $0xFFFFC000;
	s19 =	smov.u32 s20;
	s22 =	sadd.s32 $0x200, s20  }
0x53: {  	[tilespmem:s17], [sflag:$0x1] =	stream.indirect.gather [hbm4b:s2+s16], $0x80, s21, s16, $0xb8;
	[tilespmem:$0x1E800] =	vst v63  }
0x54: {  	p1 =	seq.s32 s20, $0x7200;
	_ =	swait.ge [sflag:s18], $0x4000  }
.Ltmp5:
0x55: {  	[sflag:s18] =	ssyncset.done $0x0;
	(pc) =	sbr.rel @!p1 .LBB2_3-.Ltmp5, $4  }
0x56: {  	s20 =	sadd.s32 $0x3400, s21;
	[sflag:s18] =	ssyncadd.s32 $0xFFFFC000  }
0x57: {  	[spmem:s3] =	stream.indirect.scatter.add.f32 [tilespmem:s17], [sflag:$0x2], $0x80, s20, s16, $0xb8;
	[tilespmem:$0x1E800] =	vst v63  }
0x58: {  	_ =	swait.ge [sflag:s14], $0x4000  }
0x59: {  	s20 =	smov.u32 s22;
	[sflag:s14] =	ssyncset.done $0x0  }
0x5a: {  	s19 =	sshra.s32 s19, $0x2;
	[sflag:s14] =	ssyncadd.s32 $0xFFFFC000  }
0x5b: {  	[tilespmem:s17], [sflag:$0x1] =	stream.indirect.gather [hbm4b:s2+s16], $0x80, s19, s16, $0xb8;
	[tilespmem:$0x1E800] =	vst v63  }
0x5c: {  	_ =	swait.ge [sflag:s18], $0x4000  }
0x5d: {  	[sflag:s18] =	ssyncset.done $0x0  }
.Ltmp6:
0x5e: {  	s19 =	sadd.s32 $0x3400, s19;
	[sflag:s18] =	ssyncadd.s32 $0xFFFFC000;
	(pc) =	sbr.rel .LBB2_8-.Ltmp6, $4  }
0x5f: {  	[spmem:s3] =	stream.indirect.scatter.add.f32 [tilespmem:s17], [sflag:$0x2], $0x80, s19, s16, $0xb8;
	[tilespmem:$0x1E800] =	vst v63  }
0x60: {  	_ =	swait.ge [sflag:s14], $0x4000  }
0x61: {  	[sflag:s14] =	ssyncset.done $0x0  }
0x62: {  	[sflag:s14] =	ssyncadd.s32 $0xFFFFC000  }
.LBB2_9:
0x63: {  	_ =	sfence.sel $0x180000  }
0x64: {  	[bflag:$0x0] =	sbarrier.arrive $0xFFFF  }
0x65: {  	p0 =	sne.s32 s1, $0x0;
	_ =	strace $0x9000004D  }
0x66: {  	s0 =	sadd.s32 @!p0 $0x100000, s0;
	[bflag:$0x2] =	sbarrier.arrive $0xFFFF  }
0x67: {  	[sflag:s0] =	ssyncadd.tile.s32 @!p0 $0x1;
	_ =	shalt  }
.Lfunc_end2:
_tile_overlayer_lowered:
.L_overlay_start_2:
0x68: {  	(tag) =	ssettag $0x2  }
0x69: {  	s0 =	rddreg [dreg:$0x0];
	s2 =	stileid.u32  }
0x6a: {  	s1 =	rddreg [dreg:$0x1];
	p0 =	sne.s32 s2, $0x0  }
0x6b: {  	s3 =	rddreg [dreg:$0x2];
	[bflag:$0x3] =	sbarrier.arrive $0xFFFF;
	s2 =	simm.s32 @!p0 $0x1C02  }
0x6c: {  	[timem:s3], [sflag:s2] =	dma.local @!p0 [hbm:s0], s1  }
0x6d: {  	s0 =	simm.s32 @!p0 $0x2  }
0x6e: {  	_ =	swait.ge @!p0 [sflag:s0], s1  }
0x6f: {  	s1 =	ssub.s32 @!p0 $0x0, s1;
	[sflag:s0] =	ssyncset.done @!p0 $0x0  }
0x70: {  	[sflag:s0] =	ssyncadd.s32 @!p0 s1  }
0x71: {  	[bflag:$0x3] =	sbarrier.arrive $0xFFFF  }
0x72: {  	_ =	shalt  }

// kernel: kernel.8.cloned.1.call-start
scs
__scs_entry_jumppad:
0x0: {  	(pc) =	sbr.rel $0x88, $3  }
0x1: {  	(tag) =	ssettag $0x0;
	lr =	simm.s32 $0x1  }
0x2: {  	[smem:$0x3F96] =	sst lr;
	_ =	strace $0xD0000000  }
0x3: {  	_ = 	snop  }
0x4: {  	_ = 	snop  }
0x5: {  	_ = 	snop  }
0x6: {  	_ = 	snop  }
0x7: {  	_ = 	snop  }
__scs_overlays_trampoline_lowered:
0x8: {  	[smem:$0x3FA5] =	sst s0  }
0x9: {  	[smem:$0x3FA6] =	sst s1  }
0xa: {  	[smem:$0x3FA7] =	sst s2  }
0xb: {  	[smem:$0x3FA8] =	sst s3  }
0xc: {  	[smem:$0x3FA9] =	sst s4  }
0xd: {  	[smem:$0x3FAA] =	sst s5  }
0xe: {  	[smem:$0x3FAB] =	sst s6  }
0xf: {  	[smem:$0x3FAC] =	sst s7  }
0x10: {  	[smem:$0x3FAD] =	sst s8  }
0x11: {  	[smem:$0x3FAE] =	sst s9;
	s0 =	simm.s32 @!p0 $0x0  }
0x12: {  	s1 =	sld [smem:$0x3F94];
	s0 =	simm.s32 @p0 $0x1  }
0x13: {  	[smem:$0x3FAF] =	sst s0;
	s0 =	simm.s32 @!p1 $0x0  }
0x14: {  	s2 =	sld [smem:$0x3F93];
	s0 =	simm.s32 @p1 $0x1  }
0x15: {  	[smem:$0x3FB0] =	sst s0;
	s0 =	simm.s32 @!p2 $0x0  }
0x16: {  	s3 =	sld [smem:$0x3FDB];
	s0 =	simm.s32 @p2 $0x1  }
0x17: {  	s4 =	simm.s32 $0x1BF5;
	[smem:$0x3FB2] =	sst s0  }
0x18: {  	s0 =	sld [smem:$0x3F95];
	_ =	swait.ge [sflag:s4], $0x0  }
0x19: {  	s7 =	sld [smem:$0x3F96]  }
0x1a: {  	s8 =	sadd.s32 $0xFFFFE003, lr  }
0x1b: {  	s9 =	sadd.s32 $0xFFFFFEF7, lr;
	s5 =	simm.s32 $0xFFFFFFFF;
	p2 =	slt.u32 s8, $0xFFFFF086  }
0x1c: {  	p1 =	slt.u32 s9, $0xF7A;
	s5 =	simm.s32 @!p2 $0x0  }
0x1d: {  	s5 =	simm.s32 @p1 $0x1;
	p0 =	seq.s32 s7, s2  }
0x1e: {  	s7 =	smul.u32 @!p0 $0xF7A, s2;
	p2 =	seq.s32 @!p0 s5, $0x0  }
0x1f: {  	s9 =	smul.u32 $0xF7A, s1;
	s8 =	simm.s32 @!p0 $0x1BF5;
	p2 =	por !p2, p0  }
0x20: {  	[sflag:s8] =	ssyncset.s32 @!p0 $0xFFFFF086;
	s6 =	sadd.s32 @!p0 s3, s7;
	s7 =	simm.s32 @!p0 $0x108  }
0x21: {  	s3 =	sadd.s32 s3, s9;
	s6 =	sadd.s32 @!p0 $0x88, s6;
	s7 =	simm.s32 @p2 $0x1082  }
0x22: {  	[simem:s7], [sflag:s8] =	dma.local @!p0 [hbm:s6], $0xF7A  }
0x23: {  	s9 =	sor.u32 $0xD0000000, s2;
	s6 =	simm.s32 $0x108;
	_ =	swait.ge @!p0 [sflag:s8], $0x0  }
0x24: {  	s3 =	sadd.s32 $0x88, s3;
	s6 =	simm.s32 @!p1 $0x1082;
	[sflag:s4] =	ssyncset.s32 $0xFFFFF086  }
0x25: {  	[simem:s6], [sflag:s4] =	dma.local [hbm:s3], $0xF7A  }
0x26: {  	[smem:$0x3F96] =	sst s1;
	(tag) =	ssettag s2;
	_ =	strace s9  }
0x27: {  	s1 =	sld [smem:$0x3FA6]  }
0x28: {  	s2 =	sld [smem:$0x3FA7]  }
0x29: {  	s4 =	sld [smem:$0x3FA9]  }
0x2a: {  	p0 =	seq.s32 s5, $0x0;
	s5 =	sld [smem:$0x3FAA]  }
0x2b: {  	s6 =	sld [smem:$0x3FAB]  }
0x2c: {  	s7 =	sld [smem:$0x3FAC]  }
0x2d: {  	s3 =	simm.s32 $0x108;
	s8 =	sld [smem:$0x3FAD]  }
0x2e: {  	s3 =	simm.s32 @!p0 $0x1082;
	s9 =	sld [smem:$0x3FAE]  }
0x2f: {  	lr =	sadd.s32 s0, s3;
	s0 =	sld [smem:$0x3FA5]  }
0x30: {  	s3 =	sld [smem:$0x3FA8]  }
0x31: {  	[smem:$0x3FB1] =	sst s10  }
0x32: {  	s10 =	sld [smem:$0x3FAF];
	_ =	sdelay $0x3  }
0x33: {  	p0 =	seq.s32 s10, $0x1;
	s10 =	sld [smem:$0x3FB1];
	_ =	sdelay $0x3  }
0x34: {  	[smem:$0x3FB1] =	sst s10  }
0x35: {  	s10 =	sld [smem:$0x3FB0];
	_ =	sdelay $0x3  }
0x36: {  	p1 =	seq.s32 s10, $0x1;
	s10 =	sld [smem:$0x3FB1];
	_ =	sdelay $0x3  }
0x37: {  	[smem:$0x3FB1] =	sst s10  }
0x38: {  	s10 =	sld [smem:$0x3FB2]  }
0x39: {  	_ = 	snop;
	(pc) =	sbr.ind lr, $3  }
0x3a: {  	_ = 	snop  }
0x3b: {  	_ = 	snop  }
0x3c: {  	p2 =	seq.s32 s10, $0x1;
	s10 =	sld [smem:$0x3FB1]  }
0x3d: {  	_ =	shalt  }
0x3e: {  	_ =	shalt  }
0x3f: {  	_ =	shalt  }
0x40: {  	_ =	shalt  }
0x41: {  	_ =	shalt  }
0x42: {  	_ =	shalt  }
0x43: {  	_ =	shalt  }
0x44: {  	_ =	shalt  }
0x45: {  	_ =	shalt  }
0x46: {  	_ =	shalt  }
0x47: {  	_ =	shalt  }
0x48: {  	_ =	shalt  }
0x49: {  	_ =	shalt  }
0x4a: {  	_ =	shalt  }
0x4b: {  	_ =	shalt  }
0x4c: {  	_ =	shalt  }
0x4d: {  	_ =	shalt  }
0x4e: {  	_ =	shalt  }
0x4f: {  	_ =	shalt  }
0x50: {  	_ =	shalt  }
0x51: {  	_ =	shalt  }
0x52: {  	_ =	shalt  }
0x53: {  	_ =	shalt  }
0x54: {  	_ =	shalt  }
0x55: {  	_ =	shalt  }
0x56: {  	_ =	shalt  }
0x57: {  	_ =	shalt  }
0x58: {  	_ =	shalt  }
0x59: {  	_ =	shalt  }
0x5a: {  	_ =	shalt  }
0x5b: {  	_ =	shalt  }
0x5c: {  	_ =	shalt  }
0x5d: {  	_ =	shalt  }
0x5e: {  	_ =	shalt  }
0x5f: {  	_ =	shalt  }
0x60: {  	_ =	shalt  }
0x61: {  	_ =	shalt  }
0x62: {  	_ =	shalt  }
0x63: {  	_ =	shalt  }
0x64: {  	_ =	shalt  }
0x65: {  	_ =	shalt  }
0x66: {  	_ =	shalt  }
0x67: {  	_ =	shalt  }
0x68: {  	_ =	shalt  }
0x69: {  	_ =	shalt  }
0x6a: {  	_ =	shalt  }
0x6b: {  	_ =	shalt  }
0x6c: {  	_ =	shalt  }
0x6d: {  	_ =	shalt  }
0x6e: {  	_ =	shalt  }
0x6f: {  	_ =	shalt  }
0x70: {  	_ =	shalt  }
0x71: {  	_ =	shalt  }
0x72: {  	_ =	shalt  }
0x73: {  	_ =	shalt  }
0x74: {  	_ =	shalt  }
0x75: {  	_ =	shalt  }
0x76: {  	_ =	shalt  }
0x77: {  	_ =	shalt  }
0x78: {  	_ =	shalt  }
0x79: {  	_ =	shalt  }
0x7a: {  	_ =	shalt  }
0x7b: {  	_ =	shalt  }
0x7c: {  	_ =	shalt  }
0x7d: {  	_ =	shalt  }
0x7e: {  	_ =	shalt  }
0x7f: {  	_ =	shalt  }
0x80: {  	_ =	shalt  }
0x81: {  	_ =	shalt  }
0x82: {  	_ =	shalt  }
0x83: {  	_ =	shalt  }
0x84: {  	_ =	shalt  }
0x85: {  	_ =	shalt  }
0x86: {  	_ =	shalt  }
0x87: {  	_ =	shalt  }
.Lfunc_end0:
.L_simem_size_0:
called_computation_lowered:
.L_overlay_start_0:
0x88: {  	s2 =	sld [smem:$0x3FD9]  }
0x89: {  	s3 =	sld [smem:$0x3FFE];
	_ =	sdelay $0x1  }
0x8a: {  	s1 =	srdreg.scid  }
0x8b: {  	s0 =	sand.u32 $0x1, s1  }
0x8c: {  	s17 =	sshll.u32 s0, $0xA;
	s2 =	sadd.s32 s3, s2  }
0x8d: {  	s2 =	sadd.s32 s2, s17  }
0x8e: {  	[smem:$0x3FBD] =	sst s2  }
0x8f: {  	_ = 	snop  }
0x90: {  	s2 =	sld [smem:$0x3FD0];
	(tm) =	ssettm $0x1  }
0x91: {  	s18 =	sld [smem:$0x3FFB];
	_ =	sdelay $0x3  }
0x92: {  	_ =	strace s18  }
0x93: {  	s3 =	sld [smem:$0x3FFC];
	_ =	sdelay $0x3  }
0x94: {  	_ =	strace s3  }
0x95: {  	s3 =	sld [smem:$0x3FFD];
	_ =	sdelay $0x3  }
0x96: {  	_ =	strace s3  }
0x97: {  	_ =	strace $0x8FFFFFFF  }
0x98: {  	s19 =	sld [smem:$0x3FDB];
	_ =	sdelay $0x1  }
0x99: {  	s4 =	simm.s32 $_scs_section_size  }
0x9a: {  	s5 =	simm.s32 $_size__tile_overlayer_lowered;
	s6 =	simm.s32 $_tile_overlayer_lowered  }
0x9b: {  	s22 =	simm.s32 $0x1BFF;
	s21 =	sshll.u32 s6, $0x1;
	s3 =	sadd.s32 s4, s19  }
0x9c: {  	s7 =	simm.s32 $0x0;
	s20 =	sshll.u32 s5, $0x1;
	s5 =	sadd.s32 s21, s3  }
0x9d: {  	[timem:s7], [sflag:s22] =	dma.local [hbm:s5], s20  }
0x9e: {  	_ =	swait.ge [sflag:s22], s20  }
0x9f: {  	s4 =	ssub.s32 $0x0, s20;
	[sflag:s22] =	ssyncset.done $0x0  }
0xa0: {  	[sflag:s22] =	ssyncadd.s32 s4;
	_ =	sdelay $0x1  }
0xa1: {  	s23 =	simm.s32 $0x1B8B  }
0xa2: {  	_ =	swait.ge [sflag:s23], $0x1  }
0xa3: {  	[sflag:s23] =	ssyncset.done $0x0  }
0xa4: {  	s25 =	simm.s32 $0x1B8E;
	s24 =	sld [smem:$0x3FFE];
	[sflag:s23] =	ssyncadd.s32 $0xFFFFFFFF  }
0xa5: {  	s26 =	simm.s32 $execute0_lowered;
	[smem:$0x3FD2] =	sst s25  }
0xa6: {  	s5 =	sshll.u32 s26, $0x1;
	_ =	strace $0x80000046;
	[dreg:$0x1] =	wrdreg $0xFFFFFFFF  }
0xa7: {  	s28 =	simm.s32 $_size_execute0_lowered;
	s3 =	sadd.s32 s3, s5;
	[dreg:$0x0] =	wrdreg $0x0  }
0xa8: {  	s5 =	sshll.u32 s28, $0x1;
	[dreg:$0x2] =	wrdreg s3  }
0xa9: {  	[dreg:$0x3] =	wrdreg s5  }
0xaa: {  	[dreg:$0x4] =	wrdreg $0xC0  }
0xab: {  	_ =	task [dreg:s7], $0x5FFFF  }
0xac: {  	[dreg:$0x1] =	wrdreg $0xFFFFFFFF  }
0xad: {  	[dreg:$0x0] =	wrdreg $0x60  }
0xae: {  	[dreg:$0x2] =	wrdreg s24  }
0xaf: {  	[dreg:$0x3] =	wrdreg s2  }
0xb0: {  	[dreg:$0x4] =	wrdreg $0xFA000  }
0xb1: {  	[dreg:$0x5] =	wrdreg $0x9  }
0xb2: {  	_ =	task.clear_ibuf [dreg:s7], $0x6FFFF;
	_ =	strace $0x90000046  }
0xb3: {  	s29 =	simm.s32 $0x9;
	_ =	strace $0x80000048  }
0xb4: {  	_ =	swait.ge [sflag:s29], $0x1  }
0xb5: {  	[sflag:s29] =	ssyncadd.s32 $0xFFFFFFFF  }
0xb6: {  	_ =	strace $0x90000048  }
0xb7: {  	_ =	sfence  }
0xb8: {  	s30 =	sld [smem:$0x0];
	_ =	sdelay $0x2  }
0xb9: {  	s31 =	sshll.u32 s1, $0xD;
	s1 =	sshrl.u32 s1, $0x2  }
0xba: {  	s3 =	sand.u32 $0x4000, s31;
	s1 =	sadd.s32 s1, s30  }
0xbb: {  	s0 =	sor.u32 s3, s0;
	s1 =	sshll.u32 s1, $0x11  }
0xbc: {  	s0 =	sor.u32 s1, s0  }
0xbd: {  	s0 =	sadd.s32 $0x8F2B, s0  }
0xbe: {  	[sflag:s0] =	ssyncadd.remote.s32 $0x1  }
0xbf: {  	_ =	sfence.sel $0xFFFF  }
0xc0: {  	[dreg:$0x0] =	wrdreg $0xFFFFFFFF;
	(pc) =	sbr.abs _section_cstart, $3  }
0xc1: {  	[dreg:$0x1] =	wrdreg $0xFFFFFFFF  }
0xc2: {  	_ =	task.clear_ibuf [dreg:s7], $0x2FFFF;
	_ =	strace $0x9FFFFFFF  }
0xc3: {  	(tm) =	ssettm $0x7FFFFFFF  }
tec
execute0_lowered:
.L_overlay_start_1:
0x0: {  	(tag) =	ssettag $0x1  }
0x1: {  	s0 =	rddreg [dreg:$0x0]  }
0x2: {  	s8 =	stileid.u32;
	s6 =	rddreg [dreg:$0x1]  }
0x3: {  	s3 =	srdreg.scid;
	s14 =	rddreg [dreg:$0x2];
	s7 =	simm.s32 $0x0  }
0x4: {  	s1 =	sshrl.u32 s8, $0x2;
	s2 =	sand.u32 $0x3, s8;
	s3 =	sand.u32 $0x1, s3  }
0x5: {  	s18 =	smul.u32 $0xA000, s8;
	s4 =	sshll.u32 s1, $0x3;
	s5 =	sshll.u32 s2, $0x1  }
0x6: {  	[smem:$0x7FF] =	sst s7;
	s17 =	smul.u32 $0x28000, s1;
	s4 =	sor.u32 s5, s4  }
0x7: {  	s19 =	sand.u32 $0xC, s8;
	s20 =	smul.u32 $0xA00, s2;
	s4 =	sor.u32 s3, s4  }
0x8: {  	s15 =	ssub.s32 $0x2, s3;
	_ =	strace $0x80000047;
	s4 =	smul.u32 $0x1400, s4  }
0x9: {  	s16 =	sshrl.u32 s15, $0x1;
	s1 =	sshrl.u32 s18, $0x2;
	s3 =	sshll.u32 s3, $0x4  }
0xa: {  	s1 =	sadd.s32 s1, s14;
	s3 =	sor.u32 s19, s3;
	s0 =	sadd.s32 s4, s0  }
0xb: {  	s2 =	sor.u32 s2, s3;
	s4 =	ssub.s32 s15, s16;
	s0 =	sadd.s32 $0x1000, s0  }
0xc: {  	s21 =	smul.u32 $0x140, s2;
	[dreg:$0x4] =	wrdreg s0;
	s0 =	sshrl.u32 s17, $0x2  }
0xd: {  	[dreg:$0x5] =	wrdreg s1;
	s25 =	smax.u32 s4, $0x1;
	s0 =	sadd.s32 s0, s14  }
0xe: {  	[dreg:$0xa] =	wrdreg s25;
	s5 =	sadd.s32 s20, s0;
	s0 =	sadd.s32 s6, s21  }
0xf: {  	s22 =	sadd.s32 $0x2800, s5;
	[dreg:$0x9] =	wrdreg s0  }
0x10: {  	s23 =	sadd.s32 $0x5000, s5;
	[dreg:$0x6] =	wrdreg s22  }
0x11: {  	s24 =	sadd.s32 $0x7800, s5;
	[dreg:$0x7] =	wrdreg s23  }
0x12: {  	s26 =	sadd.s32 $0x80, s5;
	[dreg:$0x8] =	wrdreg s24  }
0x13: {  	s31 =	sadd.s32 $0x100, s5;
	[dreg:$0xb] =	wrdreg s26  }
0x14: {  	s1 =	sadd.s32 $0x180, s5;
	[dreg:$0xc] =	wrdreg s31  }
0x15: {  	s2 =	sadd.s32 $0x200, s5;
	[dreg:$0xd] =	wrdreg s1  }
0x16: {  	s3 =	sadd.s32 $0x280, s5;
	[dreg:$0xe] =	wrdreg s2  }
0x17: {  	s4 =	sadd.s32 $0x300, s5;
	[dreg:$0xf] =	wrdreg s3  }
0x18: {  	s6 =	sadd.s32 $0x380, s5;
	[dreg:$0x10] =	wrdreg s4  }
0x19: {  	s7 =	sadd.s32 $0x400, s5;
	[dreg:$0x11] =	wrdreg s6  }
0x1a: {  	s8 =	sadd.s32 $0x480, s5;
	[dreg:$0x12] =	wrdreg s7  }
0x1b: {  	s9 =	sadd.s32 $0x500, s5;
	[dreg:$0x13] =	wrdreg s8  }
0x1c: {  	s10 =	sadd.s32 $0x580, s5;
	[dreg:$0x14] =	wrdreg s9  }
0x1d: {  	s11 =	sadd.s32 $0x600, s5;
	[dreg:$0x15] =	wrdreg s10  }
0x1e: {  	s12 =	sadd.s32 $0x680, s5;
	[dreg:$0x16] =	wrdreg s11  }
0x1f: {  	s13 =	sadd.s32 $0x700, s5;
	[dreg:$0x17] =	wrdreg s12  }
0x20: {  	s14 =	sadd.s32 $0x780, s5;
	[dreg:$0x18] =	wrdreg s13  }
0x21: {  	s15 =	sadd.s32 $0x800, s5;
	[dreg:$0x19] =	wrdreg s14  }
0x22: {  	s16 =	sadd.s32 $0x880, s5;
	[dreg:$0x1a] =	wrdreg s15  }
0x23: {  	s17 =	sadd.s32 $0x900, s5;
	[dreg:$0x1b] =	wrdreg s16  }
0x24: {  	s18 =	sadd.s32 $0x980, s5;
	[dreg:$0x1c] =	wrdreg s17  }
0x25: {  	s19 =	sadd.s32 $0x2880, s5;
	[dreg:$0x1d] =	wrdreg s18  }
0x26: {  	s20 =	sadd.s32 $0x2900, s5;
	[dreg:$0x1e] =	wrdreg s19  }
0x27: {  	s21 =	sadd.s32 $0x2980, s5;
	[dreg:$0x1f] =	wrdreg s20  }
0x28: {  	s25 =	sadd.s32 $0x2B80, s5;
	[smem:$0x7DD] =	sst s21  }
0x29: {  	s22 =	sadd.s32 $0x2A00, s5;
	[smem:$0x7E1] =	sst s25  }
0x2a: {  	s23 =	sadd.s32 $0x2A80, s5;
	[smem:$0x7DE] =	sst s22  }
0x2b: {  	s24 =	sadd.s32 $0x2B00, s5;
	[smem:$0x7DF] =	sst s23  }
0x2c: {  	s26 =	sadd.s32 $0x2C00, s5;
	[smem:$0x7E0] =	sst s24  }
0x2d: {  	s31 =	sadd.s32 $0x2C80, s5;
	[smem:$0x7E2] =	sst s26  }
0x2e: {  	s1 =	sadd.s32 $0x2D00, s5;
	[smem:$0x7E3] =	sst s31  }
0x2f: {  	s2 =	sadd.s32 $0x2D80, s5;
	[smem:$0x7E4] =	sst s1  }
0x30: {  	s3 =	sadd.s32 $0x2E00, s5;
	[smem:$0x7E5] =	sst s2  }
0x31: {  	s4 =	sadd.s32 $0x2E80, s5;
	[smem:$0x7E6] =	sst s3  }
0x32: {  	s6 =	sadd.s32 $0x2F00, s5;
	[smem:$0x7E7] =	sst s4  }
0x33: {  	s7 =	sadd.s32 $0x2F80, s5;
	[smem:$0x7E8] =	sst s6  }
0x34: {  	s8 =	sadd.s32 $0x3000, s5;
	[smem:$0x7E9] =	sst s7  }
0x35: {  	s9 =	sadd.s32 $0x3080, s5;
	[smem:$0x7EA] =	sst s8  }
0x36: {  	s10 =	sadd.s32 $0x3100, s5;
	[smem:$0x7EB] =	sst s9  }
0x37: {  	s11 =	sadd.s32 $0x3180, s5;
	[smem:$0x7EC] =	sst s10  }
0x38: {  	s12 =	sadd.s32 $0x5080, s5;
	[smem:$0x7ED] =	sst s11  }
0x39: {  	s13 =	sadd.s32 $0x5100, s5;
	[smem:$0x7EE] =	sst s12  }
0x3a: {  	s14 =	sadd.s32 $0x5180, s5;
	[smem:$0x7EF] =	sst s13  }
0x3b: {  	s15 =	sadd.s32 $0x5200, s5;
	[smem:$0x7F0] =	sst s14  }
0x3c: {  	s16 =	sadd.s32 $0x5280, s5;
	[smem:$0x7F1] =	sst s15  }
0x3d: {  	s17 =	sadd.s32 $0x5300, s5;
	[smem:$0x7F2] =	sst s16  }
0x3e: {  	s18 =	sadd.s32 $0x5380, s5;
	[smem:$0x7F3] =	sst s17  }
0x3f: {  	s19 =	sadd.s32 $0x5400, s5;
	[smem:$0x7F4] =	sst s18  }
0x40: {  	s28 =	simm.s32 $0x1;
	s20 =	sadd.s32 $0x5480, s5;
	[smem:$0x7F5] =	sst s19  }
0x41: {  	s29 =	simm.s32 $0xA000;
	s21 =	sadd.s32 $0x5500, s5;
	[smem:$0x7F6] =	sst s20  }
0x42: {  	s30 =	simm.s32 $0x0;
	s25 =	sadd.s32 $0x5700, s5;
	[smem:$0x7F7] =	sst s21  }
0x43: {  	s22 =	sadd.s32 $0x5580, s5;
	s23 =	sadd.s32 $0x5600, s5;
	s24 =	sadd.s32 $0x5680, s5  }
0x44: {  	[smem:$0x7FB] =	sst s25;
	s26 =	sadd.s32 $0x5780, s5;
	s31 =	sadd.s32 $0x5800, s5  }
0x45: {  	s4 =	sadd.s32 $0x5880, s5;
	s6 =	sadd.s32 $0x5900, s5;
	s7 =	sadd.s32 $0x5980, s5  }
0x46: {  	s8 =	sadd.s32 $0x7880, s5;
	s9 =	sadd.s32 $0x7900, s5;
	s10 =	sadd.s32 $0x7980, s5  }
0x47: {  	s11 =	sadd.s32 $0x7A00, s5;
	s12 =	sadd.s32 $0x7A80, s5;
	s13 =	sadd.s32 $0x7B00, s5  }
0x48: {  	s14 =	sadd.s32 $0x7B80, s5;
	s15 =	sadd.s32 $0x7C00, s5;
	[smem:$0x7F8] =	sst s22  }
0x49: {  	s16 =	sadd.s32 $0x7C80, s5;
	s17 =	sadd.s32 $0x7D00, s5;
	[smem:$0x7F9] =	sst s23  }
0x4a: {  	s18 =	sadd.s32 $0x7D80, s5;
	s19 =	sadd.s32 $0x7E00, s5;
	[smem:$0x7FA] =	sst s24  }
0x4b: {  	s20 =	sadd.s32 $0x7E80, s5;
	s21 =	sadd.s32 $0x7F00, s5;
	[smem:$0x7FC] =	sst s26  }
0x4c: {  	s25 =	sadd.s32 $0x8100, s5;
	[smem:$0x7FD] =	sst s31;
	s22 =	sadd.s32 $0x7F80, s5  }
0x4d: {  	v0 =	vimm.f32 $0.0e+00;
	v1 =	vimm.f32 $1.000000000e+00;
	s23 =	sadd.s32 $0x8000, s5;
	s24 =	sadd.s32 $0x8080, s5;
	s26 =	sadd.s32 $0x8180, s5  }
.LBB2_1:
0x4e: {  	s0 =	simm.s32 $0x40;
	s1 =	simm.s32 $0x0  }
.LBB2_2:
0x4f: {  	p0 =	sne.s32 s0, $0x9FC0;
	[tilespmem:s1+$0xA000] =	vst v0;
	s1 =	smov.u32 s0;
	s0 =	sadd.s32 $0x40, s0  }
.Ltmp0:
0x50: {  	(pc) =	sbr.rel @p0 .LBB2_2-.Ltmp0, $2  }
0x51: {  	_ =	sdelay $0x2  }
0x52: {  	s1 =	sshra.s32 s1, $0x2  }
0x53: {  	[tilespmem:s1+$0xA000] =	vst v0;
	s0 =	simm.s32 $0x0;
	s3 =	rddreg [dreg:$0x4]  }
0x54: {  	[tilespmem:s0], [sflag:$0x1] =	stream.linear.gather [hbm4b:s3+s0], $0xA000, $0x38;
	[tilespmem:$0x12200] =	vst v63  }
0x55: {  	s31 =	sand.u32 $0x3FE00, s0;
	_ =	swait.ge [sflag:s28], $0xA000  }
0x56: {  	s0 =	sand.u32 $0x70, s0;
	s1 =	sshrl.u32 s31, $0x2;
	[sflag:s28] =	ssyncset.done $0x0  }
0x57: {  	s0 =	sor.u32 s0, s1;
	[sflag:s28] =	ssyncadd.s32 $0xFFFF6000  }
0x58: {  	v2 =	vld [tilespmem:s0+$0x0];
	_ =	sdelay $0x4  }
0x59: {  	s2 =	simm.s32 $0x40  }
0x5a: {  	s2 =	sand.u32 $0x3FE00, s2;
	s1 =	simm.s32 $0x80;
	s0 =	simm.s32 $0x10  }
.LBB2_4:
0x5b: {  	p0 =	sne.s32 s1, $0x27FC0;
	s31 =	sand.u32 $0x70, s0;
	s2 =	sshrl.u32 s2, $0x2  }
0x5c: {  	s2 =	sor.u32 s31, s2;
	[tilespmem:v2+s29+$0x0] =	vst.idx.add.f32.msk $0xffff, v1  }
0x5d: {  	v2 =	vld [tilespmem:s2+$0x0];
	_ =	sdelay $0x1  }
.Ltmp1:
0x5e: {  	(pc) =	sbr.rel @p0 .LBB2_4-.Ltmp1, $2  }
0x5f: {  	_ =	sdelay $0x2  }
0x60: {  	s0 =	sadd.s32 $0x10, s0;
	s2 =	sand.u32 $0x3FE00, s1;
	s1 =	sadd.s32 $0x40, s1  }
0x61: {  	_ =	sdelay $0x2  }
0x62: {  	s0 =	sand.u32 $0x70, s0;
	s1 =	sshrl.u32 s2, $0x2  }
0x63: {  	[tilespmem:v2+s29+$0x0] =	vst.idx.add.f32.msk $0xffff, v1;
	s0 =	sor.u32 s0, s1  }
0x64: {  	v2 =	vld [tilespmem:s0+$0x0];
	_ =	sdelay $0x7  }
0x65: {  	s3 =	rddreg [dreg:$0x5];
	[tilespmem:v2+s29+$0x0] =	vst.idx.add.f32.msk $0xffff, v1  }
0x66: {  	[spmem:s3] =	stream.linear.scatter [tilespmem:s29], [sflag:$0x1], $0x2800, $0x38;
	[tilespmem:$0x12200] =	vst v63  }
0x67: {  	_ =	swait.ge [sflag:s28], $0x2800  }
0x68: {  	[sflag:s28] =	ssyncset.done $0x0  }
0x69: {  	[sflag:s28] =	ssyncadd.s32 $0xFFFFD800  }
0x6a: {  	s1 =	simm.s32 $0xC800;
	[bflag:$0x0] =	sbarrier.arrive $0xFFFF  }
0x6b: {  	[tilespmem:s1], [sflag:$0x1] =	stream.linear.gather [spmem:s5], $0x80, $0x38;
	[tilespmem:$0x12200] =	vst v63  }
0x6c: {  	s3 =	simm.s32 $0xCA00;
	s2 =	rddreg [dreg:$0xb]  }
0x6d: {  	[tilespmem:s3], [sflag:$0x1] =	stream.linear.gather [spmem:s2], $0x80, $0x38;
	[tilespmem:$0x12200] =	vst v63  }
0x6e: {  	s2 =	rddreg [dreg:$0xc];
	s3 =	simm.s32 $0xCC00  }
0x6f: {  	[tilespmem:s3], [sflag:$0x1] =	stream.linear.gather [spmem:s2], $0x80, $0x38;
	[tilespmem:$0x12200] =	vst v63  }
0x70: {  	s2 =	rddreg [dreg:$0xd];
	s3 =	simm.s32 $0xCE00  }
0x71: {  	[tilespmem:s3], [sflag:$0x1] =	stream.linear.gather [spmem:s2], $0x80, $0x38;
	[tilespmem:$0x12200] =	vst v63  }
0x72: {  	s2 =	rddreg [dreg:$0xe];
	s3 =	simm.s32 $0xD000  }
0x73: {  	[tilespmem:s3], [sflag:$0x1] =	stream.linear.gather [spmem:s2], $0x80, $0x38;
	[tilespmem:$0x12200] =	vst v63  }
0x74: {  	s2 =	rddreg [dreg:$0xf];
	s3 =	simm.s32 $0xD200  }
0x75: {  	[tilespmem:s3], [sflag:$0x1] =	stream.linear.gather [spmem:s2], $0x80, $0x38;
	[tilespmem:$0x12200] =	vst v63  }
0x76: {  	s2 =	rddreg [dreg:$0x10];
	s3 =	simm.s32 $0xD400  }
0x77: {  	[tilespmem:s3], [sflag:$0x1] =	stream.linear.gather [spmem:s2], $0x80, $0x38;
	[tilespmem:$0x12200] =	vst v63  }
0x78: {  	s2 =	rddreg [dreg:$0x11];
	s3 =	simm.s32 $0xD600  }
0x79: {  	[tilespmem:s3], [sflag:$0x1] =	stream.linear.gather [spmem:s2], $0x80, $0x38;
	[tilespmem:$0x12200] =	vst v63  }
0x7a: {  	s2 =	rddreg [dreg:$0x12];
	s3 =	simm.s32 $0xD800  }
0x7b: {  	[tilespmem:s3], [sflag:$0x1] =	stream.linear.gather [spmem:s2], $0x80, $0x38;
	[tilespmem:$0x12200] =	vst v63  }
0x7c: {  	s2 =	rddreg [dreg:$0x13];
	s3 =	simm.s32 $0xDA00  }
0x7d: {  	[tilespmem:s3], [sflag:$0x1] =	stream.linear.gather [spmem:s2], $0x80, $0x38;
	[tilespmem:$0x12200] =	vst v63  }
0x7e: {  	s2 =	rddreg [dreg:$0x14];
	s3 =	simm.s32 $0xDC00  }
0x7f: {  	[tilespmem:s3], [sflag:$0x1] =	stream.linear.gather [spmem:s2], $0x80, $0x38;
	[tilespmem:$0x12200] =	vst v63  }
0x80: {  	s2 =	rddreg [dreg:$0x15];
	s3 =	simm.s32 $0xDE00  }
0x81: {  	[tilespmem:s3], [sflag:$0x1] =	stream.linear.gather [spmem:s2], $0x80, $0x38;
	[tilespmem:$0x12200] =	vst v63  }
0x82: {  	s2 =	rddreg [dreg:$0x16];
	s3 =	simm.s32 $0xE000  }
0x83: {  	[tilespmem:s3], [sflag:$0x1] =	stream.linear.gather [spmem:s2], $0x80, $0x38;
	[tilespmem:$0x12200] =	vst v63  }
0x84: {  	s2 =	rddreg [dreg:$0x17];
	s3 =	simm.s32 $0xE200  }
0x85: {  	[tilespmem:s3], [sflag:$0x1] =	stream.linear.gather [spmem:s2], $0x80, $0x38;
	[tilespmem:$0x12200] =	vst v63  }
0x86: {  	s2 =	rddreg [dreg:$0x18];
	s3 =	simm.s32 $0xE400  }
0x87: {  	[tilespmem:s3], [sflag:$0x1] =	stream.linear.gather [spmem:s2], $0x80, $0x38;
	[tilespmem:$0x12200] =	vst v63  }
0x88: {  	s2 =	rddreg [dreg:$0x19];
	s3 =	simm.s32 $0xE600  }
0x89: {  	[tilespmem:s3], [sflag:$0x1] =	stream.linear.gather [spmem:s2], $0x80, $0x38;
	[tilespmem:$0x12200] =	vst v63  }
0x8a: {  	s2 =	rddreg [dreg:$0x1a];
	s3 =	simm.s32 $0xE800  }
0x8b: {  	[tilespmem:s3], [sflag:$0x1] =	stream.linear.gather [spmem:s2], $0x80, $0x38;
	[tilespmem:$0x12200] =	vst v63  }
0x8c: {  	s2 =	rddreg [dreg:$0x1b];
	s3 =	simm.s32 $0xEA00  }
0x8d: {  	[tilespmem:s3], [sflag:$0x1] =	stream.linear.gather [spmem:s2], $0x80, $0x38;
	[tilespmem:$0x12200] =	vst v63  }
0x8e: {  	s2 =	rddreg [dreg:$0x1c];
	s3 =	simm.s32 $0xEC00  }
0x8f: {  	[tilespmem:s3], [sflag:$0x1] =	stream.linear.gather [spmem:s2], $0x80, $0x38;
	[tilespmem:$0x12200] =	vst v63  }
0x90: {  	s2 =	rddreg [dreg:$0x1d];
	s3 =	simm.s32 $0xEE00  }
0x91: {  	[tilespmem:s3], [sflag:$0x1] =	stream.linear.gather [spmem:s2], $0x80, $0x38;
	[tilespmem:$0x12200] =	vst v63  }
0x92: {  	_ =	swait.ge [sflag:s28], $0xA00  }
0x93: {  	[sflag:s28] =	ssyncset.done $0x0  }
0x94: {  	s3 =	simm.s32 $0xC880;
	s2 =	rddreg [dreg:$0x6];
	[sflag:s28] =	ssyncadd.s32 $0xFFFFF600  }
0x95: {  	[tilespmem:s3], [sflag:$0x1] =	stream.linear.gather [spmem:s2], $0x80, $0x38;
	[tilespmem:$0x12200] =	vst v63  }
0x96: {  	s2 =	rddreg [dreg:$0x1e];
	s3 =	simm.s32 $0xCA80  }
0x97: {  	[tilespmem:s3], [sflag:$0x1] =	stream.linear.gather [spmem:s2], $0x80, $0x38;
	[tilespmem:$0x12200] =	vst v63  }
0x98: {  	s2 =	rddreg [dreg:$0x1f];
	s3 =	simm.s32 $0xCC80  }
0x99: {  	[tilespmem:s3], [sflag:$0x1] =	stream.linear.gather [spmem:s2], $0x80, $0x38;
	[tilespmem:$0x12200] =	vst v63  }
0x9a: {  	s2 =	sld [smem:$0x7DD];
	_ =	sdelay $0x1  }
0x9b: {  	s3 =	simm.s32 $0xCE80  }
0x9c: {  	[tilespmem:s3], [sflag:$0x1] =	stream.linear.gather [spmem:s2], $0x80, $0x38;
	[tilespmem:$0x12200] =	vst v63  }
0x9d: {  	s2 =	sld [smem:$0x7DE];
	_ =	sdelay $0x1  }
0x9e: {  	s3 =	simm.s32 $0xD080  }
0x9f: {  	[tilespmem:s3], [sflag:$0x1] =	stream.linear.gather [spmem:s2], $0x80, $0x38;
	[tilespmem:$0x12200] =	vst v63  }
0xa0: {  	s2 =	sld [smem:$0x7DF];
	_ =	sdelay $0x1  }
0xa1: {  	s3 =	simm.s32 $0xD280  }
0xa2: {  	[tilespmem:s3], [sflag:$0x1] =	stream.linear.gather [spmem:s2], $0x80, $0x38;
	[tilespmem:$0x12200] =	vst v63  }
0xa3: {  	s2 =	sld [smem:$0x7E0];
	_ =	sdelay $0x1  }
0xa4: {  	s3 =	simm.s32 $0xD480  }
0xa5: {  	[tilespmem:s3], [sflag:$0x1] =	stream.linear.gather [spmem:s2], $0x80, $0x38;
	[tilespmem:$0x12200] =	vst v63  }
0xa6: {  	s2 =	sld [smem:$0x7E1];
	_ =	sdelay $0x1  }
0xa7: {  	s3 =	simm.s32 $0xD680  }
0xa8: {  	[tilespmem:s3], [sflag:$0x1] =	stream.linear.gather [spmem:s2], $0x80, $0x38;
	[tilespmem:$0x12200] =	vst v63  }
0xa9: {  	s2 =	sld [smem:$0x7E2];
	_ =	sdelay $0x1  }
0xaa: {  	s3 =	simm.s32 $0xD880  }
0xab: {  	[tilespmem:s3], [sflag:$0x1] =	stream.linear.gather [spmem:s2], $0x80, $0x38;
	[tilespmem:$0x12200] =	vst v63  }
0xac: {  	s2 =	sld [smem:$0x7E3];
	_ =	sdelay $0x1  }
0xad: {  	s3 =	simm.s32 $0xDA80  }
0xae: {  	[tilespmem:s3], [sflag:$0x1] =	stream.linear.gather [spmem:s2], $0x80, $0x38;
	[tilespmem:$0x12200] =	vst v63  }
0xaf: {  	s2 =	sld [smem:$0x7E4];
	_ =	sdelay $0x1  }
0xb0: {  	s3 =	simm.s32 $0xDC80  }
0xb1: {  	[tilespmem:s3], [sflag:$0x1] =	stream.linear.gather [spmem:s2], $0x80, $0x38;
	[tilespmem:$0x12200] =	vst v63  }
0xb2: {  	s2 =	sld [smem:$0x7E5];
	_ =	sdelay $0x1  }
0xb3: {  	s3 =	simm.s32 $0xDE80  }
0xb4: {  	[tilespmem:s3], [sflag:$0x1] =	stream.linear.gather [spmem:s2], $0x80, $0x38;
	[tilespmem:$0x12200] =	vst v63  }
0xb5: {  	s2 =	sld [smem:$0x7E6];
	_ =	sdelay $0x1  }
0xb6: {  	s3 =	simm.s32 $0xE080  }
0xb7: {  	[tilespmem:s3], [sflag:$0x1] =	stream.linear.gather [spmem:s2], $0x80, $0x38;
	[tilespmem:$0x12200] =	vst v63  }
0xb8: {  	s2 =	sld [smem:$0x7E7];
	_ =	sdelay $0x1  }
0xb9: {  	s3 =	simm.s32 $0xE280  }
0xba: {  	[tilespmem:s3], [sflag:$0x1] =	stream.linear.gather [spmem:s2], $0x80, $0x38;
	[tilespmem:$0x12200] =	vst v63  }
0xbb: {  	s2 =	sld [smem:$0x7E8];
	_ =	sdelay $0x1  }
0xbc: {  	s3 =	simm.s32 $0xE480  }
0xbd: {  	[tilespmem:s3], [sflag:$0x1] =	stream.linear.gather [spmem:s2], $0x80, $0x38;
	[tilespmem:$0x12200] =	vst v63  }
0xbe: {  	s2 =	sld [smem:$0x7E9];
	_ =	sdelay $0x1  }
0xbf: {  	s3 =	simm.s32 $0xE680  }
0xc0: {  	[tilespmem:s3], [sflag:$0x1] =	stream.linear.gather [spmem:s2], $0x80, $0x38;
	[tilespmem:$0x12200] =	vst v63  }
0xc1: {  	s2 =	sld [smem:$0x7EA];
	_ =	sdelay $0x1  }
0xc2: {  	s3 =	simm.s32 $0xE880  }
0xc3: {  	[tilespmem:s3], [sflag:$0x1] =	stream.linear.gather [spmem:s2], $0x80, $0x38;
	[tilespmem:$0x12200] =	vst v63  }
0xc4: {  	s2 =	sld [smem:$0x7EB];
	_ =	sdelay $0x1  }
0xc5: {  	s3 =	simm.s32 $0xEA80  }
0xc6: {  	[tilespmem:s3], [sflag:$0x1] =	stream.linear.gather [spmem:s2], $0x80, $0x38;
	[tilespmem:$0x12200] =	vst v63  }
0xc7: {  	s2 =	sld [smem:$0x7EC];
	_ =	sdelay $0x1  }
0xc8: {  	s3 =	simm.s32 $0xEC80  }
0xc9: {  	[tilespmem:s3], [sflag:$0x1] =	stream.linear.gather [spmem:s2], $0x80, $0x38;
	[tilespmem:$0x12200] =	vst v63  }
0xca: {  	s2 =	sld [smem:$0x7ED];
	_ =	sdelay $0x1  }
0xcb: {  	s3 =	simm.s32 $0xEE80  }
0xcc: {  	[tilespmem:s3], [sflag:$0x1] =	stream.linear.gather [spmem:s2], $0x80, $0x38;
	[tilespmem:$0x12200] =	vst v63  }
0xcd: {  	_ =	swait.ge [sflag:s28], $0xA00  }
0xce: {  	[sflag:s28] =	ssyncset.done $0x0  }
0xcf: {  	s3 =	simm.s32 $0xC900;
	s2 =	rddreg [dreg:$0x7];
	[sflag:s28] =	ssyncadd.s32 $0xFFFFF600  }
0xd0: {  	[tilespmem:s3], [sflag:$0x1] =	stream.linear.gather [spmem:s2], $0x80, $0x38;
	[tilespmem:$0x12200] =	vst v63  }
0xd1: {  	s2 =	sld [smem:$0x7EE];
	_ =	sdelay $0x1  }
0xd2: {  	s3 =	simm.s32 $0xCB00  }
0xd3: {  	[tilespmem:s3], [sflag:$0x1] =	stream.linear.gather [spmem:s2], $0x80, $0x38;
	[tilespmem:$0x12200] =	vst v63  }
0xd4: {  	s2 =	sld [smem:$0x7EF];
	_ =	sdelay $0x1  }
0xd5: {  	s3 =	simm.s32 $0xCD00  }
0xd6: {  	[tilespmem:s3], [sflag:$0x1] =	stream.linear.gather [spmem:s2], $0x80, $0x38;
	[tilespmem:$0x12200] =	vst v63  }
0xd7: {  	s2 =	sld [smem:$0x7F0];
	_ =	sdelay $0x1  }
0xd8: {  	s3 =	simm.s32 $0xCF00  }
0xd9: {  	[tilespmem:s3], [sflag:$0x1] =	stream.linear.gather [spmem:s2], $0x80, $0x38;
	[tilespmem:$0x12200] =	vst v63  }
0xda: {  	s2 =	sld [smem:$0x7F1];
	_ =	sdelay $0x1  }
0xdb: {  	s3 =	simm.s32 $0xD100  }
0xdc: {  	[tilespmem:s3], [sflag:$0x1] =	stream.linear.gather [spmem:s2], $0x80, $0x38;
	[tilespmem:$0x12200] =	vst v63  }
0xdd: {  	s2 =	sld [smem:$0x7F2];
	_ =	sdelay $0x1  }
0xde: {  	s3 =	simm.s32 $0xD300  }
0xdf: {  	[tilespmem:s3], [sflag:$0x1] =	stream.linear.gather [spmem:s2], $0x80, $0x38;
	[tilespmem:$0x12200] =	vst v63  }
0xe0: {  	s2 =	sld [smem:$0x7F3];
	_ =	sdelay $0x1  }
0xe1: {  	s3 =	simm.s32 $0xD500  }
0xe2: {  	[tilespmem:s3], [sflag:$0x1] =	stream.linear.gather [spmem:s2], $0x80, $0x38;
	[tilespmem:$0x12200] =	vst v63  }
0xe3: {  	s2 =	sld [smem:$0x7F4];
	_ =	sdelay $0x1  }
0xe4: {  	s3 =	simm.s32 $0xD700  }
0xe5: {  	[tilespmem:s3], [sflag:$0x1] =	stream.linear.gather [spmem:s2], $0x80, $0x38;
	[tilespmem:$0x12200] =	vst v63  }
0xe6: {  	s2 =	sld [smem:$0x7F5];
	_ =	sdelay $0x1  }
0xe7: {  	s3 =	simm.s32 $0xD900  }
0xe8: {  	[tilespmem:s3], [sflag:$0x1] =	stream.linear.gather [spmem:s2], $0x80, $0x38;
	[tilespmem:$0x12200] =	vst v63  }
0xe9: {  	s2 =	sld [smem:$0x7F6];
	_ =	sdelay $0x1  }
0xea: {  	s3 =	simm.s32 $0xDB00  }
0xeb: {  	[tilespmem:s3], [sflag:$0x1] =	stream.linear.gather [spmem:s2], $0x80, $0x38;
	[tilespmem:$0x12200] =	vst v63  }
0xec: {  	s2 =	sld [smem:$0x7F7];
	_ =	sdelay $0x1  }
0xed: {  	s3 =	simm.s32 $0xDD00  }
0xee: {  	[tilespmem:s3], [sflag:$0x1] =	stream.linear.gather [spmem:s2], $0x80, $0x38;
	[tilespmem:$0x12200] =	vst v63  }
0xef: {  	s2 =	sld [smem:$0x7F8];
	_ =	sdelay $0x1  }
0xf0: {  	s3 =	simm.s32 $0xDF00  }
0xf1: {  	[tilespmem:s3], [sflag:$0x1] =	stream.linear.gather [spmem:s2], $0x80, $0x38;
	[tilespmem:$0x12200] =	vst v63  }
0xf2: {  	s2 =	sld [smem:$0x7F9];
	_ =	sdelay $0x1  }
0xf3: {  	s3 =	simm.s32 $0xE100  }
0xf4: {  	[tilespmem:s3], [sflag:$0x1] =	stream.linear.gather [spmem:s2], $0x80, $0x38;
	[tilespmem:$0x12200] =	vst v63  }
0xf5: {  	s2 =	sld [smem:$0x7FA];
	_ =	sdelay $0x1  }
0xf6: {  	s3 =	simm.s32 $0xE300  }
0xf7: {  	[tilespmem:s3], [sflag:$0x1] =	stream.linear.gather [spmem:s2], $0x80, $0x38;
	[tilespmem:$0x12200] =	vst v63  }
0xf8: {  	s2 =	sld [smem:$0x7FB];
	_ =	sdelay $0x1  }
0xf9: {  	s3 =	simm.s32 $0xE500  }
0xfa: {  	[tilespmem:s3], [sflag:$0x1] =	stream.linear.gather [spmem:s2], $0x80, $0x38;
	[tilespmem:$0x12200] =	vst v63  }
0xfb: {  	s2 =	sld [smem:$0x7FC];
	_ =	sdelay $0x1  }
0xfc: {  	s3 =	simm.s32 $0xE700  }
0xfd: {  	[tilespmem:s3], [sflag:$0x1] =	stream.linear.gather [spmem:s2], $0x80, $0x38;
	[tilespmem:$0x12200] =	vst v63  }
0xfe: {  	s2 =	sld [smem:$0x7FD];
	_ =	sdelay $0x1  }
0xff: {  	s3 =	simm.s32 $0xE900  }
0x100: {  	[tilespmem:s3], [sflag:$0x1] =	stream.linear.gather [spmem:s2], $0x80, $0x38;
	[tilespmem:$0x12200] =	vst v63  }
0x101: {  	s2 =	simm.s32 $0xEB00  }
0x102: {  	[tilespmem:s2], [sflag:$0x1] =	stream.linear.gather [spmem:s4], $0x80, $0x38;
	[tilespmem:$0x12200] =	vst v63  }
0x103: {  	s3 =	simm.s32 $0xED00  }
0x104: {  	[tilespmem:s3], [sflag:$0x1] =	stream.linear.gather [spmem:s6], $0x80, $0x38;
	[tilespmem:$0x12200] =	vst v63  }
0x105: {  	s1 =	simm.s32 $0xEF00  }
0x106: {  	[tilespmem:s1], [sflag:$0x1] =	stream.linear.gather [spmem:s7], $0x80, $0x38;
	[tilespmem:$0x12200] =	vst v63  }
0x107: {  	_ =	swait.ge [sflag:s28], $0xA00  }
0x108: {  	[sflag:s28] =	ssyncset.done $0x0  }
0x109: {  	s3 =	simm.s32 $0xC980;
	s2 =	rddreg [dreg:$0x8];
	[sflag:s28] =	ssyncadd.s32 $0xFFFFF600  }
0x10a: {  	[tilespmem:s3], [sflag:$0x1] =	stream.linear.gather [spmem:s2], $0x80, $0x38;
	[tilespmem:$0x12200] =	vst v63  }
0x10b: {  	s1 =	simm.s32 $0xCB80  }
0x10c: {  	[tilespmem:s1], [sflag:$0x1] =	stream.linear.gather [spmem:s8], $0x80, $0x38;
	[tilespmem:$0x12200] =	vst v63  }
0x10d: {  	s2 =	simm.s32 $0xCD80  }
0x10e: {  	[tilespmem:s2], [sflag:$0x1] =	stream.linear.gather [spmem:s9], $0x80, $0x38;
	[tilespmem:$0x12200] =	vst v63  }
0x10f: {  	s3 =	simm.s32 $0xCF80  }
0x110: {  	[tilespmem:s3], [sflag:$0x1] =	stream.linear.gather [spmem:s10], $0x80, $0x38;
	[tilespmem:$0x12200] =	vst v63  }
0x111: {  	s1 =	simm.s32 $0xD180  }
0x112: {  	[tilespmem:s1], [sflag:$0x1] =	stream.linear.gather [spmem:s11], $0x80, $0x38;
	[tilespmem:$0x12200] =	vst v63  }
0x113: {  	s2 =	simm.s32 $0xD380  }
0x114: {  	[tilespmem:s2], [sflag:$0x1] =	stream.linear.gather [spmem:s12], $0x80, $0x38;
	[tilespmem:$0x12200] =	vst v63  }
0x115: {  	s3 =	simm.s32 $0xD580  }
0x116: {  	[tilespmem:s3], [sflag:$0x1] =	stream.linear.gather [spmem:s13], $0x80, $0x38;
	[tilespmem:$0x12200] =	vst v63  }
0x117: {  	s1 =	simm.s32 $0xD780  }
0x118: {  	[tilespmem:s1], [sflag:$0x1] =	stream.linear.gather [spmem:s14], $0x80, $0x38;
	[tilespmem:$0x12200] =	vst v63  }
0x119: {  	s2 =	simm.s32 $0xD980  }
0x11a: {  	[tilespmem:s2], [sflag:$0x1] =	stream.linear.gather [spmem:s15], $0x80, $0x38;
	[tilespmem:$0x12200] =	vst v63  }
0x11b: {  	s3 =	simm.s32 $0xDB80  }
0x11c: {  	[tilespmem:s3], [sflag:$0x1] =	stream.linear.gather [spmem:s16], $0x80, $0x38;
	[tilespmem:$0x12200] =	vst v63  }
0x11d: {  	s1 =	simm.s32 $0xDD80  }
0x11e: {  	[tilespmem:s1], [sflag:$0x1] =	stream.linear.gather [spmem:s17], $0x80, $0x38;
	[tilespmem:$0x12200] =	vst v63  }
0x11f: {  	s2 =	simm.s32 $0xDF80  }
0x120: {  	[tilespmem:s2], [sflag:$0x1] =	stream.linear.gather [spmem:s18], $0x80, $0x38;
	[tilespmem:$0x12200] =	vst v63  }
0x121: {  	s3 =	simm.s32 $0xE180  }
0x122: {  	[tilespmem:s3], [sflag:$0x1] =	stream.linear.gather [spmem:s19], $0x80, $0x38;
	[tilespmem:$0x12200] =	vst v63  }
0x123: {  	s1 =	simm.s32 $0xE380  }
0x124: {  	[tilespmem:s1], [sflag:$0x1] =	stream.linear.gather [spmem:s20], $0x80, $0x38;
	[tilespmem:$0x12200] =	vst v63  }
0x125: {  	s2 =	simm.s32 $0xE580  }
0x126: {  	[tilespmem:s2], [sflag:$0x1] =	stream.linear.gather [spmem:s21], $0x80, $0x38;
	[tilespmem:$0x12200] =	vst v63  }
0x127: {  	s3 =	simm.s32 $0xE780  }
0x128: {  	[tilespmem:s3], [sflag:$0x1] =	stream.linear.gather [spmem:s22], $0x80, $0x38;
	[tilespmem:$0x12200] =	vst v63  }
0x129: {  	s1 =	simm.s32 $0xE980  }
0x12a: {  	[tilespmem:s1], [sflag:$0x1] =	stream.linear.gather [spmem:s23], $0x80, $0x38;
	[tilespmem:$0x12200] =	vst v63  }
0x12b: {  	s2 =	simm.s32 $0xEB80  }
0x12c: {  	[tilespmem:s2], [sflag:$0x1] =	stream.linear.gather [spmem:s24], $0x80, $0x38;
	[tilespmem:$0x12200] =	vst v63  }
0x12d: {  	s3 =	simm.s32 $0xED80  }
0x12e: {  	[tilespmem:s3], [sflag:$0x1] =	stream.linear.gather [spmem:s25], $0x80, $0x38;
	[tilespmem:$0x12200] =	vst v63  }
0x12f: {  	s1 =	simm.s32 $0xEF80  }
0x130: {  	[tilespmem:s1], [sflag:$0x1] =	stream.linear.gather [spmem:s26], $0x80, $0x38;
	[tilespmem:$0x12200] =	vst v63  }
0x131: {  	s31 =	simm.s32 $0x0;
	s0 =	simm.s32 $0x10;
	_ =	swait.ge [sflag:s28], $0xA00  }
0x132: {  	s2 =	sand.u32 $0x70, s31;
	s3 =	sand.u32 $0x3E00, s31;
	[sflag:s28] =	ssyncset.done $0x0  }
0x133: {  	s2 =	sor.u32 s2, s3;
	s1 =	simm.s32 $0x0;
	[sflag:s28] =	ssyncadd.s32 $0xFFFFF600  }
.LBB2_6:
0x134: {  	p0 =	sne.s32 s0, $0x9F0;
	v2 =	vld [tilespmem:s2+$0xC880]  }
0x135: {  	v3 =	vld [tilespmem:s2+$0xC800];
	_ =	sdelay $0x1  }
0x136: {  	v4 =	vld [tilespmem:s2+$0xC900];
	_ =	sdelay $0x1  }
0x137: {  	v5 =	vld [tilespmem:s2+$0xC980]  }
0x138: {  	v2 =	vadd.f32 v2, v3;
	_ =	sdelay $0x1  }
.Ltmp2:
0x139: {  	v2 =	vadd.f32 v4, v2;
	(pc) =	sbr.rel @p0 .LBB2_6-.Ltmp2, $4  }
0x13a: {  	_ = 	snop  }
0x13b: {  	s31 =	sadd.s32 $0x40, s31;
	v2 =	vadd.f32 v5, v2  }
0x13c: {  	s1 =	sshra.s32 s1, $0x2;
	s3 =	sand.u32 $0x3E00, s31;
	s2 =	sand.u32 $0x70, s0  }
0x13d: {  	s0 =	sadd.s32 $0x10, s0;
	s2 =	sor.u32 s2, s3;
	[tilespmem:s1+$0xF000] =	vst v2;
	s1 =	smov.u32 s31  }
0x13e: {  	v2 =	vld [tilespmem:s2+$0xC880]  }
0x13f: {  	v3 =	vld [tilespmem:s2+$0xC800];
	_ =	sdelay $0x1  }
0x140: {  	v4 =	vld [tilespmem:s2+$0xC900];
	_ =	sdelay $0x1  }
0x141: {  	v5 =	vld [tilespmem:s2+$0xC980]  }
0x142: {  	v2 =	vadd.f32 v2, v3;
	_ =	sdelay $0x1  }
0x143: {  	v2 =	vadd.f32 v4, v2;
	_ =	sdelay $0x1  }
0x144: {  	v2 =	vadd.f32 v5, v2  }
0x145: {  	s0 =	sshra.s32 s1, $0x2  }
0x146: {  	s1 =	simm.s32 $0x0;
	s2 =	rddreg [dreg:$0x9];
	s3 =	simm.s32 $0xF000;
	[tilespmem:s0+$0xF000] =	vst v2  }
0x147: {  	[hbm4b:s2+s1] =	stream.linear.scatter [tilespmem:s3], [sflag:$0x1], $0xA00, $0x38;
	[tilespmem:$0x12200] =	vst v63  }
0x148: {  	_ =	swait.ge [sflag:s28], $0xA00  }
0x149: {  	s30 =	sadd.s32 $0x1, s30;
	s31 =	rddreg [dreg:$0xa]  }
0x14a: {  	p0 =	sne.s32 s30, s31  }
.Ltmp3:
0x14b: {  	_ = 	snop;
	(pc) =	sbr.rel @p0 .LBB2_1-.Ltmp3, $3  }
0x14c: {  	_ =	sdelay $0x1  }
0x14d: {  	[sflag:s28] =	ssyncset.done $0x0  }
0x14e: {  	[sflag:s28] =	ssyncadd.s32 $0xFFFFF600  }
0x14f: {  	_ =	sfence.sel $0x180000  }
0x150: {  	[bflag:$0x0] =	sbarrier.arrive $0xFFFF  }
0x151: {  	_ =	strace $0x90000047  }
0x152: {  	s0 =	stileid.u32;
	[bflag:$0x2] =	sbarrier.arrive $0xFFFF  }
0x153: {  	p0 =	sne.s32 s0, $0x0;
	s0 =	rddreg [dreg:$0x3]  }
0x154: {  	s0 =	sadd.s32 @!p0 $0x100000, s0  }
0x155: {  	[sflag:s0] =	ssyncadd.tile.s32 @!p0 $0x1;
	_ =	shalt  }
.Lfunc_end2:
_tile_overlayer_lowered:
.L_overlay_start_2:
0x156: {  	(tag) =	ssettag $0x2  }
0x157: {  	s0 =	rddreg [dreg:$0x0];
	s2 =	stileid.u32  }
0x158: {  	s1 =	rddreg [dreg:$0x1];
	p0 =	sne.s32 s2, $0x0  }
0x159: {  	s3 =	rddreg [dreg:$0x2];
	[bflag:$0x3] =	sbarrier.arrive $0xFFFF;
	s2 =	simm.s32 @!p0 $0x1C01  }
0x15a: {  	[timem:s3], [sflag:s2] =	dma.local @!p0 [hbm:s0], s1  }
0x15b: {  	s0 =	simm.s32 @!p0 $0x1  }
0x15c: {  	_ =	swait.ge @!p0 [sflag:s0], s1  }
0x15d: {  	s1 =	ssub.s32 @!p0 $0x0, s1;
	[sflag:s0] =	ssyncset.done @!p0 $0x0  }
0x15e: {  	[sflag:s0] =	ssyncadd.s32 @!p0 s1  }
0x15f: {  	[bflag:$0x3] =	sbarrier.arrive $0xFFFF  }
0x160: {  	_ =	shalt  }

</sc_bundles>
